<compile_context>
chip_gen: v7x
topology: tpu7x:2x2x1
jax: 0.10.2.dev20260603
libtpu: 0.0.44.dev20260713+nightly
codegen_flags: <defaults>
</compile_context>

<pallas_src>
import functools

import jax
import jax.numpy as jnp
from jax import lax
from jax.experimental import pallas as pl
from jax.experimental.pallas import tpu as pltpu
from jax.experimental.pallas import tpu_sc as plsc

N_NODES = 10000
D = 256
E = 160000
W = 64
N_CHUNKS = E // W
NS = 16
NC = 2
DH = D // NC
LANES = 16
CPT = (-(-N_CHUNKS // NS) + 7) // 8 * 8
PAD_CHUNKS = CPT * NS
NBUF = 3
ZCH = N_NODES // W
ZTAIL = N_NODES - ZCH * W


def kernel(messages, edge_index):
    dst = edge_index[1].astype(jnp.int32).reshape(N_CHUNKS, W)
    dst = jnp.pad(dst, ((0, PAD_CHUNKS - N_CHUNKS), (0, 0)))
    mesh = plsc.VectorSubcoreMesh(core_axis_name="c", subcore_axis_name="s")

    @functools.partial(
        pl.kernel,
        out_type=jax.ShapeDtypeStruct((N_NODES, D), jnp.float32),
        mesh=mesh,
        scratch_types=[
            pltpu.VMEM((CPT, W), jnp.int32),
            pltpu.VMEM((NBUF, W, DH), jnp.float32),
            pltpu.VMEM_SHARED((N_NODES, DH), jnp.float32),
            pltpu.SemaphoreType.DMA,
            pltpu.SemaphoreType.DMA,
            pltpu.SemaphoreType.DMA,
        ],
    )
    def sc_kernel(msg_hbm, dst_hbm, out_hbm, din_v, rows_v, acc,
                  sem0, sem1, sem2):
        c = lax.axis_index("c")
        s = lax.axis_index("s")
        col = c * DH
        start = s * CPT
        sems = [sem0, sem1, sem2]

        def load(buf, k):
            return pltpu.make_async_copy(
                msg_hbm.at[pl.ds(k * W, W), pl.ds(col, DH)],
                rows_v.at[buf], sems[buf])

        for j in range(NBUF - 1):
            @pl.when(start + j < N_CHUNKS)
            def _():
                load(j + 1, start + j).start()

        pltpu.sync_copy(dst_hbm.at[pl.ds(start, CPT)], din_v)

        def zrow(i, carry):
            r = i // (DH // LANES)
            j = i % (DH // LANES)
            rows_v[0, r, pl.ds(j * LANES, LANES)] = (
                jnp.zeros((LANES,), jnp.float32))
            return carry
        lax.fori_loop(0, W * (DH // LANES), zrow, 0)

        for kk in range((ZCH + NS - 1) // NS):
            k = s + NS * kk
            @pl.when(k < ZCH)
            def _():
                pltpu.sync_copy(rows_v.at[0], acc.at[pl.ds(k * W, W)])
        @pl.when(s == 0)
        def _():
            pltpu.sync_copy(rows_v.at[0, pl.ds(0, ZTAIL)],
                            acc.at[pl.ds(ZCH * W, ZTAIL)])
        plsc.subcore_barrier()

        @pl.when(start + NBUF - 1 < N_CHUNKS)
        def _():
            load(0, start + NBUF - 1).start()

        def outer(o, carry):
            for b in range(NBUF):
                i = o * NBUF + b
                bu = (b + 1) % NBUF
                k = start + i
                @pl.when((i < CPT) & (k < N_CHUNKS))
                def _():
                    load(bu, k).wait()
                    pltpu.sync_copy(rows_v.at[bu], acc.at[din_v.at[i]],
                                    add=True)
                    @pl.when((i + NBUF < CPT) & (k + NBUF < N_CHUNKS))
                    def _():
                        load(bu, k + NBUF).start()
            return carry
        lax.fori_loop(0, (CPT + NBUF - 1) // NBUF, outer, 0)

        plsc.subcore_barrier()

        for kk in range((ZCH + NS - 1) // NS):
            k = s + NS * kk
            @pl.when(k < ZCH)
            def _():
                pltpu.sync_copy(acc.at[pl.ds(k * W, W)],
                                out_hbm.at[pl.ds(k * W, W), pl.ds(col, DH)])
        @pl.when(s == 0)
        def _():
            pltpu.sync_copy(acc.at[pl.ds(ZCH * W, ZTAIL)],
                            out_hbm.at[pl.ds(ZCH * W, ZTAIL), pl.ds(col, DH)])

    return sc_kernel(messages, dst)

# --- scband reference (transcript-rebuilt; emitter-appended) ---
"""Pipeline reference for scband-simple-scatter-model-22995254902873 (READ-ONLY COPY).

The authoritative reference and input builder live on the scoring server;
editing this copy changes nothing except your own understanding.
"""

import jax, jax.numpy as jnp
import numpy as np

NUM_NODES = 10000


def setup_inputs(seed: int = 0) -> dict:
    key = jax.random.key(seed)
    k1, k2 = jax.random.split(key)
    messages = jax.random.normal(k1, (160000, 256), dtype=jnp.float32)
    edge_index = jax.random.randint(k2, (2, 160000), 0, NUM_NODES, dtype=jnp.int64)
    return {"messages": messages, "edge_index": edge_index}


def reference(messages, edge_index):
    # torch: out = zeros(N, d); out.scatter_reduce(0, target.unsqueeze(1).expand_as(messages), messages, 'sum', include_self=True)
    target_nodes = edge_index[1]
    out = jnp.zeros((NUM_NODES, messages.shape[1]), dtype=messages.dtype)
    out = out.at[target_nodes].add(messages)
    return out

if __name__ == "__main__":
    import jax
    _d = setup_inputs()
    print(jax.jit(kernel)(*tuple(_d.values())))

</pallas_src>

<mosaic_0001>
#map = affine_map<(d0, d1) -> (0, 0)>
module attributes {stable_mosaic.version = 14 : i64} {
  func.func @sc_kernel(%arg0: i32, %arg1: i32, %arg2: memref<160000x256xf32, #tpu.memory_space<hbm>>, %arg3: memref<2560x64xi32, #tpu.memory_space<hbm>>, %arg4: memref<10000x256xf32, #tpu.memory_space<hbm>>, %arg5: memref<160x64xi32, #tpu.memory_space<vmem>>, %arg6: memref<3x64x128xf32, #tpu.memory_space<vmem>>, %arg7: memref<10000x128xf32, #tpu.memory_space<vmem_shared>>, %arg8: memref<!tpu.dma_semaphore, #tpu.memory_space<semaphore_mem>>, %arg9: memref<!tpu.dma_semaphore, #tpu.memory_space<semaphore_mem>>, %arg10: memref<!tpu.dma_semaphore, #tpu.memory_space<semaphore_mem>>) attributes {dimension_semantics = [#tpu.dimension_semantics<core_parallel>, #tpu.dimension_semantics<subcore_parallel>], iteration_bounds = array<i64: 2, 16>, scalar_prefetch = 0 : i64, scratch_operands = 6 : i64, tpu.core_type = #tpu.core_type<sc_vector_subcore>, window_params = [{transform_indices = #map}, {transform_indices = #map}, {transform_indices = #map}]} {
    %mul3A = arith.constant 128 : i32
    %mul3A_0 = arith.muli %arg0, %mul3A : i32
    %mul3A_1 = arith.constant 160 : i32
    %mul3A_2 = arith.muli %arg1, %mul3A_1 : i32
    %add3A = arith.constant 0 : i32
    %add3A_3 = arith.addi %mul3A_2, %add3A : i32
    %lt3A = arith.constant 2500 : i32
    %lt3A_4 = arith.cmpi slt, %add3A_3, %lt3A : i32
    %convert_element_type3A = arith.extui %lt3A_4 : i1 to i32
    %cond3A = arith.constant 0 : i32
    %cond3A_5 = arith.cmpi ne, %convert_element_type3A, %cond3A : i32
    scf.if %cond3A_5 {
      %add3A_182 = arith.constant 0 : i32
      %add3A_183 = arith.addi %mul3A_2, %add3A_182 : i32
      %mul3A_184 = arith.constant 64 : i32
      %mul3A_185 = arith.muli %add3A_183, %mul3A_184 : i32
      %dma_start3A = arith.constant 1 : i32
      %dma_start3A_186 = arith.constant 0 : i32
      %dma_start3A_187 = arith.constant 0 : i32
      %dma_start3A_188 = tpu.memref_slice %arg6[%dma_start3A, %dma_start3A_186, %dma_start3A_187] : memref<3x64x128xf32, #tpu.memory_space<vmem>> -> memref<1x64x128xf32, #tpu.memory_space<vmem>>
      %dma_start3A_189 = tpu.memref_squeeze %dma_start3A_188 : memref<1x64x128xf32, #tpu.memory_space<vmem>> -> memref<64x128xf32, #tpu.memory_space<vmem>>
      %dma_start3A_190 = tpu.memref_slice %arg2[%mul3A_185, %mul3A_0] : memref<160000x256xf32, #tpu.memory_space<hbm>> -> memref<64x128xf32, #tpu.memory_space<hbm>>
      %dma_start3A_191 = arith.constant 0 : i32
      %dma_start3A_192 = arith.constant 0 : i32
      %dma_start3A_193 = tpu.memref_slice %arg6[%dma_start3A, %dma_start3A_191, %dma_start3A_192] : memref<3x64x128xf32, #tpu.memory_space<vmem>> -> memref<1x64x128xf32, #tpu.memory_space<vmem>>
      %dma_start3A_194 = tpu.memref_squeeze %dma_start3A_193 : memref<1x64x128xf32, #tpu.memory_space<vmem>> -> memref<64x128xf32, #tpu.memory_space<vmem>>
      %dma_start3A_195 = tpu.memref_slice %arg2[%mul3A_185, %mul3A_0] : memref<160000x256xf32, #tpu.memory_space<hbm>> -> memref<64x128xf32, #tpu.memory_space<hbm>>
      tpu.enqueue_dma source(%dma_start3A_195 : memref<64x128xf32, #tpu.memory_space<hbm>>) target(%dma_start3A_194 : memref<64x128xf32, #tpu.memory_space<vmem>>) target_semaphore(%arg9 : memref<!tpu.dma_semaphore, #tpu.memory_space<semaphore_mem>>)
    } else {
    }
    %add3A_6 = arith.constant 1 : i32
    %add3A_7 = arith.addi %mul3A_2, %add3A_6 : i32
    %lt3A_8 = arith.constant 2500 : i32
    %lt3A_9 = arith.cmpi slt, %add3A_7, %lt3A_8 : i32
    %convert_element_type3A_10 = arith.extui %lt3A_9 : i1 to i32
    %cond3A_11 = arith.constant 0 : i32
    %cond3A_12 = arith.cmpi ne, %convert_element_type3A_10, %cond3A_11 : i32
    scf.if %cond3A_12 {
      %add3A_182 = arith.constant 1 : i32
      %add3A_183 = arith.addi %mul3A_2, %add3A_182 : i32
      %mul3A_184 = arith.constant 64 : i32
      %mul3A_185 = arith.muli %add3A_183, %mul3A_184 : i32
      %dma_start3A = arith.constant 2 : i32
      %dma_start3A_186 = arith.constant 0 : i32
      %dma_start3A_187 = arith.constant 0 : i32
      %dma_start3A_188 = tpu.memref_slice %arg6[%dma_start3A, %dma_start3A_186, %dma_start3A_187] : memref<3x64x128xf32, #tpu.memory_space<vmem>> -> memref<1x64x128xf32, #tpu.memory_space<vmem>>
      %dma_start3A_189 = tpu.memref_squeeze %dma_start3A_188 : memref<1x64x128xf32, #tpu.memory_space<vmem>> -> memref<64x128xf32, #tpu.memory_space<vmem>>
      %dma_start3A_190 = tpu.memref_slice %arg2[%mul3A_185, %mul3A_0] : memref<160000x256xf32, #tpu.memory_space<hbm>> -> memref<64x128xf32, #tpu.memory_space<hbm>>
      %dma_start3A_191 = arith.constant 0 : i32
      %dma_start3A_192 = arith.constant 0 : i32
      %dma_start3A_193 = tpu.memref_slice %arg6[%dma_start3A, %dma_start3A_191, %dma_start3A_192] : memref<3x64x128xf32, #tpu.memory_space<vmem>> -> memref<1x64x128xf32, #tpu.memory_space<vmem>>
      %dma_start3A_194 = tpu.memref_squeeze %dma_start3A_193 : memref<1x64x128xf32, #tpu.memory_space<vmem>> -> memref<64x128xf32, #tpu.memory_space<vmem>>
      %dma_start3A_195 = tpu.memref_slice %arg2[%mul3A_185, %mul3A_0] : memref<160000x256xf32, #tpu.memory_space<hbm>> -> memref<64x128xf32, #tpu.memory_space<hbm>>
      tpu.enqueue_dma source(%dma_start3A_195 : memref<64x128xf32, #tpu.memory_space<hbm>>) target(%dma_start3A_194 : memref<64x128xf32, #tpu.memory_space<vmem>>) target_semaphore(%arg10 : memref<!tpu.dma_semaphore, #tpu.memory_space<semaphore_mem>>)
    } else {
    }
    "tpu.region"() ({
      %run_scoped3A = tpu.sem_alloc : memref<!tpu.dma_semaphore, #tpu.memory_space<semaphore_mem>>
      %dma_start3A = arith.constant 0 : i32
      %dma_start3A_182 = tpu.memref_slice %arg3[%mul3A_2, %dma_start3A] : memref<2560x64xi32, #tpu.memory_space<hbm>> -> memref<160x64xi32, #tpu.memory_space<hbm>>
      %dma_start3A_183 = arith.constant 0 : i32
      %dma_start3A_184 = tpu.memref_slice %arg3[%mul3A_2, %dma_start3A_183] : memref<2560x64xi32, #tpu.memory_space<hbm>> -> memref<160x64xi32, #tpu.memory_space<hbm>>
      tpu.enqueue_dma source(%dma_start3A_184 : memref<160x64xi32, #tpu.memory_space<hbm>>) target(%arg5 : memref<160x64xi32, #tpu.memory_space<vmem>>) target_semaphore(%run_scoped3A : memref<!tpu.dma_semaphore, #tpu.memory_space<semaphore_mem>>)
      %dma_wait3A = arith.constant 0 : i32
      %dma_wait3A_185 = tpu.memref_slice %arg3[%mul3A_2, %dma_wait3A] : memref<2560x64xi32, #tpu.memory_space<hbm>> -> memref<160x64xi32, #tpu.memory_space<hbm>>
      %dma_wait3A_186 = arith.constant 0 : i32
      %dma_wait3A_187 = tpu.memref_slice %arg3[%mul3A_2, %dma_wait3A_186] : memref<2560x64xi32, #tpu.memory_space<hbm>> -> memref<160x64xi32, #tpu.memory_space<hbm>>
      tpu.wait_dma2 semaphore(%run_scoped3A : memref<!tpu.dma_semaphore, #tpu.memory_space<semaphore_mem>>) src(%dma_wait3A_187 : memref<160x64xi32, #tpu.memory_space<hbm>>) dst(%arg5 : memref<160x64xi32, #tpu.memory_space<vmem>>)
      tpu.yield
    }) : () -> ()
    %scan3A = arith.constant 0 : i32
    %scan3A_13 = arith.constant 0 : i32
    %scan3A_14 = arith.constant 512 : i32
    %scan3A_15 = arith.addi %scan3A_13, %scan3A_14 : i32
    %scan3A_16 = arith.constant 1 : i32
    scf.for %scan3A_182 = %scan3A_13 to %scan3A_15 step %scan3A_16  : i32 {
      %jit3A = arith.constant 8 : i32
      %div3A = arith.divsi %scan3A_182, %jit3A : i32
      %sign3A = arith.constant 0 : i32
      %sign3A_183 = arith.cmpi sgt, %scan3A_182, %sign3A : i32
      %sign3A_184 = arith.extui %sign3A_183 : i1 to i32
      %sign3A_185 = arith.constant 0 : i32
      %sign3A_186 = arith.cmpi slt, %scan3A_182, %sign3A_185 : i32
      %sign3A_187 = arith.extui %sign3A_186 : i1 to i32
      %sign3A_188 = arith.subi %sign3A_184, %sign3A_187 : i32
      %sign3A_189 = arith.constant 0 : i32
      %sign3A_190 = arith.cmpi sgt, %jit3A, %sign3A_189 : i32
      %sign3A_191 = arith.extui %sign3A_190 : i1 to i32
      %sign3A_192 = arith.constant 0 : i32
      %sign3A_193 = arith.cmpi slt, %jit3A, %sign3A_192 : i32
      %sign3A_194 = arith.extui %sign3A_193 : i1 to i32
      %sign3A_195 = arith.subi %sign3A_191, %sign3A_194 : i32
      %ne3A = arith.cmpi ne, %sign3A_188, %sign3A_195 : i32
      %rem3A = arith.remsi %scan3A_182, %jit3A : i32
      %ne3A_196 = arith.constant 0 : i32
      %ne3A_197 = arith.cmpi ne, %rem3A, %ne3A_196 : i32
      %and3A = arith.andi %ne3A, %ne3A_197 : i1
      %sub3A_198 = arith.constant 1 : i32
      %sub3A_199 = arith.subi %div3A, %sub3A_198 : i32
      %select_n3A = arith.select %and3A, %sub3A_199, %div3A : i32
      %jit3A_200 = arith.constant 8 : i32
      %eq3A_201 = arith.constant 0 : i32
      %eq3A_202 = arith.cmpi eq, %jit3A_200, %eq3A_201 : i32
      %jit3A_203 = arith.constant 1 : i32
      %select_n3A_204 = arith.select %eq3A_202, %jit3A_203, %jit3A_200 : i32
      %rem3A_205 = arith.remsi %scan3A_182, %select_n3A_204 : i32
      %ne3A_206 = arith.constant 0 : i32
      %ne3A_207 = arith.cmpi ne, %rem3A_205, %ne3A_206 : i32
      %lt3A_208 = arith.constant 0 : i32
      %lt3A_209 = arith.cmpi slt, %rem3A_205, %lt3A_208 : i32
      %lt3A_210 = arith.constant 0 : i32
      %lt3A_211 = arith.cmpi slt, %select_n3A_204, %lt3A_210 : i32
      %ne3A_212 = arith.xori %lt3A_209, %lt3A_211 : i1
      %and3A_213 = arith.andi %ne3A_212, %ne3A_207 : i1
      %add3A_214 = arith.addi %rem3A_205, %select_n3A_204 : i32
      %select_n3A_215 = arith.select %and3A_213, %add3A_214, %rem3A_205 : i32
      %broadcast_in_dim3A = arith.constant 0.000000e+00 : f32
      %broadcast_in_dim3A_216 = vector.broadcast %broadcast_in_dim3A : f32 to vector<16xf32>
      %mul3A_217 = arith.constant 16 : i32
      %mul3A_218 = arith.muli %select_n3A_215, %mul3A_217 : i32
      %swap3A = arith.constant 0 : i32
      %swap3A_219 = arith.index_cast %swap3A : i32 to index
      %swap3A_220 = arith.index_cast %select_n3A : i32 to index
      %swap3A_221 = arith.index_cast %mul3A_218 : i32 to index
      %swap3A_222 = tpu.vector_load %arg6[%swap3A_219, %swap3A_220, %swap3A_221] {strides = array<i32>} : memref<3x64x128xf32, #tpu.memory_space<vmem>>, vector<1x1x16xf32>,
      %swap3A_223 = vector.shape_cast %swap3A_222 : vector<1x1x16xf32> to vector<16xf32>
      %swap3A_224 = vector.shape_cast %broadcast_in_dim3A_216 : vector<16xf32> to vector<1x1x16xf32>
      tpu.vector_store %arg6[%swap3A_219, %swap3A_220, %swap3A_221], %swap3A_224 {strides = array<i32>} : memref<3x64x128xf32, #tpu.memory_space<vmem>>, vector<1x1x16xf32>,
    }
    %scan3A_17 = arith.constant 512 : i32
    %add3A_18 = arith.constant 0 : i32
    %add3A_19 = arith.addi %arg1, %add3A_18 : i32
    %lt3A_20 = arith.constant 156 : i32
    %lt3A_21 = arith.cmpi slt, %add3A_19, %lt3A_20 : i32
    %convert_element_type3A_22 = arith.extui %lt3A_21 : i1 to i32
    %cond3A_23 = arith.constant 0 : i32
    %cond3A_24 = arith.cmpi ne, %convert_element_type3A_22, %cond3A_23 : i32
    scf.if %cond3A_24 {
      %mul3A_182 = arith.constant 64 : i32
      %mul3A_183 = arith.muli %add3A_19, %mul3A_182 : i32
      %run_scoped3A = arith.constant 0 : i32
      "tpu.region"() ({
        %run_scoped3A_184 = tpu.sem_alloc : memref<!tpu.dma_semaphore, #tpu.memory_space<semaphore_mem>>
        %dma_start3A = arith.constant 0 : i32
        %dma_start3A_185 = arith.constant 0 : i32
        %dma_start3A_186 = tpu.memref_slice %arg6[%run_scoped3A, %dma_start3A, %dma_start3A_185] : memref<3x64x128xf32, #tpu.memory_space<vmem>> -> memref<1x64x128xf32, #tpu.memory_space<vmem>>
        %dma_start3A_187 = tpu.memref_squeeze %dma_start3A_186 : memref<1x64x128xf32, #tpu.memory_space<vmem>> -> memref<64x128xf32, #tpu.memory_space<vmem>>
        %dma_start3A_188 = arith.constant 0 : i32
        %dma_start3A_189 = tpu.memref_slice %arg7[%mul3A_183, %dma_start3A_188] : memref<10000x128xf32, #tpu.memory_space<vmem_shared>> -> memref<64x128xf32, #tpu.memory_space<vmem_shared>>
        %dma_start3A_190 = arith.constant 0 : i32
        %dma_start3A_191 = tpu.memref_slice %arg7[%mul3A_183, %dma_start3A_190] : memref<10000x128xf32, #tpu.memory_space<vmem_shared>> -> memref<64x128xf32, #tpu.memory_space<vmem_shared>>
        %dma_start3A_192 = arith.constant 0 : i32
        %dma_start3A_193 = arith.constant 0 : i32
        %dma_start3A_194 = tpu.memref_slice %arg6[%run_scoped3A, %dma_start3A_192, %dma_start3A_193] : memref<3x64x128xf32, #tpu.memory_space<vmem>> -> memref<1x64x128xf32, #tpu.memory_space<vmem>>
        %dma_start3A_195 = tpu.memref_squeeze %dma_start3A_194 : memref<1x64x128xf32, #tpu.memory_space<vmem>> -> memref<64x128xf32, #tpu.memory_space<vmem>>
        tpu.enqueue_dma source(%dma_start3A_195 : memref<64x128xf32, #tpu.memory_space<vmem>>) target(%dma_start3A_191 : memref<64x128xf32, #tpu.memory_space<vmem_shared>>) target_semaphore(%run_scoped3A_184 : memref<!tpu.dma_semaphore, #tpu.memory_space<semaphore_mem>>)
        %dma_wait3A = arith.constant 0 : i32
        %dma_wait3A_196 = arith.constant 0 : i32
        %dma_wait3A_197 = tpu.memref_slice %arg6[%run_scoped3A, %dma_wait3A, %dma_wait3A_196] : memref<3x64x128xf32, #tpu.memory_space<vmem>> -> memref<1x64x128xf32, #tpu.memory_space<vmem>>
        %dma_wait3A_198 = tpu.memref_squeeze %dma_wait3A_197 : memref<1x64x128xf32, #tpu.memory_space<vmem>> -> memref<64x128xf32, #tpu.memory_space<vmem>>
        %dma_wait3A_199 = arith.constant 0 : i32
        %dma_wait3A_200 = tpu.memref_slice %arg7[%mul3A_183, %dma_wait3A_199] : memref<10000x128xf32, #tpu.memory_space<vmem_shared>> -> memref<64x128xf32, #tpu.memory_space<vmem_shared>>
        %dma_wait3A_201 = arith.constant 0 : i32
        %dma_wait3A_202 = tpu.memref_slice %arg7[%mul3A_183, %dma_wait3A_201] : memref<10000x128xf32, #tpu.memory_space<vmem_shared>> -> memref<64x128xf32, #tpu.memory_space<vmem_shared>>
        %dma_wait3A_203 = arith.constant 0 : i32
        %dma_wait3A_204 = arith.constant 0 : i32
        %dma_wait3A_205 = tpu.memref_slice %arg6[%run_scoped3A, %dma_wait3A_203, %dma_wait3A_204] : memref<3x64x128xf32, #tpu.memory_space<vmem>> -> memref<1x64x128xf32, #tpu.memory_space<vmem>>
        %dma_wait3A_206 = tpu.memref_squeeze %dma_wait3A_205 : memref<1x64x128xf32, #tpu.memory_space<vmem>> -> memref<64x128xf32, #tpu.memory_space<vmem>>
        tpu.wait_dma2 semaphore(%run_scoped3A_184 : memref<!tpu.dma_semaphore, #tpu.memory_space<semaphore_mem>>) src(%dma_wait3A_206 : memref<64x128xf32, #tpu.memory_space<vmem>>) dst(%dma_wait3A_202 : memref<64x128xf32, #tpu.memory_space<vmem_shared>>)
        tpu.yield
      }) : () -> ()
    } else {
    }
    %add3A_25 = arith.constant 16 : i32
    %add3A_26 = arith.addi %arg1, %add3A_25 : i32
    %lt3A_27 = arith.constant 156 : i32
    %lt3A_28 = arith.cmpi slt, %add3A_26, %lt3A_27 : i32
    %convert_element_type3A_29 = arith.extui %lt3A_28 : i1 to i32
    %cond3A_30 = arith.constant 0 : i32
    %cond3A_31 = arith.cmpi ne, %convert_element_type3A_29, %cond3A_30 : i32
    scf.if %cond3A_31 {
      %mul3A_182 = arith.constant 64 : i32
      %mul3A_183 = arith.muli %add3A_26, %mul3A_182 : i32
      %run_scoped3A = arith.constant 0 : i32
      "tpu.region"() ({
        %run_scoped3A_184 = tpu.sem_alloc : memref<!tpu.dma_semaphore, #tpu.memory_space<semaphore_mem>>
        %dma_start3A = arith.constant 0 : i32
        %dma_start3A_185 = arith.constant 0 : i32
        %dma_start3A_186 = tpu.memref_slice %arg6[%run_scoped3A, %dma_start3A, %dma_start3A_185] : memref<3x64x128xf32, #tpu.memory_space<vmem>> -> memref<1x64x128xf32, #tpu.memory_space<vmem>>
        %dma_start3A_187 = tpu.memref_squeeze %dma_start3A_186 : memref<1x64x128xf32, #tpu.memory_space<vmem>> -> memref<64x128xf32, #tpu.memory_space<vmem>>
        %dma_start3A_188 = arith.constant 0 : i32
        %dma_start3A_189 = tpu.memref_slice %arg7[%mul3A_183, %dma_start3A_188] : memref<10000x128xf32, #tpu.memory_space<vmem_shared>> -> memref<64x128xf32, #tpu.memory_space<vmem_shared>>
        %dma_start3A_190 = arith.constant 0 : i32
        %dma_start3A_191 = tpu.memref_slice %arg7[%mul3A_183, %dma_start3A_190] : memref<10000x128xf32, #tpu.memory_space<vmem_shared>> -> memref<64x128xf32, #tpu.memory_space<vmem_shared>>
        %dma_start3A_192 = arith.constant 0 : i32
        %dma_start3A_193 = arith.constant 0 : i32
        %dma_start3A_194 = tpu.memref_slice %arg6[%run_scoped3A, %dma_start3A_192, %dma_start3A_193] : memref<3x64x128xf32, #tpu.memory_space<vmem>> -> memref<1x64x128xf32, #tpu.memory_space<vmem>>
        %dma_start3A_195 = tpu.memref_squeeze %dma_start3A_194 : memref<1x64x128xf32, #tpu.memory_space<vmem>> -> memref<64x128xf32, #tpu.memory_space<vmem>>
        tpu.enqueue_dma source(%dma_start3A_195 : memref<64x128xf32, #tpu.memory_space<vmem>>) target(%dma_start3A_191 : memref<64x128xf32, #tpu.memory_space<vmem_shared>>) target_semaphore(%run_scoped3A_184 : memref<!tpu.dma_semaphore, #tpu.memory_space<semaphore_mem>>)
        %dma_wait3A = arith.constant 0 : i32
        %dma_wait3A_196 = arith.constant 0 : i32
        %dma_wait3A_197 = tpu.memref_slice %arg6[%run_scoped3A, %dma_wait3A, %dma_wait3A_196] : memref<3x64x128xf32, #tpu.memory_space<vmem>> -> memref<1x64x128xf32, #tpu.memory_space<vmem>>
        %dma_wait3A_198 = tpu.memref_squeeze %dma_wait3A_197 : memref<1x64x128xf32, #tpu.memory_space<vmem>> -> memref<64x128xf32, #tpu.memory_space<vmem>>
        %dma_wait3A_199 = arith.constant 0 : i32
        %dma_wait3A_200 = tpu.memref_slice %arg7[%mul3A_183, %dma_wait3A_199] : memref<10000x128xf32, #tpu.memory_space<vmem_shared>> -> memref<64x128xf32, #tpu.memory_space<vmem_shared>>
        %dma_wait3A_201 = arith.constant 0 : i32
        %dma_wait3A_202 = tpu.memref_slice %arg7[%mul3A_183, %dma_wait3A_201] : memref<10000x128xf32, #tpu.memory_space<vmem_shared>> -> memref<64x128xf32, #tpu.memory_space<vmem_shared>>
        %dma_wait3A_203 = arith.constant 0 : i32
        %dma_wait3A_204 = arith.constant 0 : i32
        %dma_wait3A_205 = tpu.memref_slice %arg6[%run_scoped3A, %dma_wait3A_203, %dma_wait3A_204] : memref<3x64x128xf32, #tpu.memory_space<vmem>> -> memref<1x64x128xf32, #tpu.memory_space<vmem>>
        %dma_wait3A_206 = tpu.memref_squeeze %dma_wait3A_205 : memref<1x64x128xf32, #tpu.memory_space<vmem>> -> memref<64x128xf32, #tpu.memory_space<vmem>>
        tpu.wait_dma2 semaphore(%run_scoped3A_184 : memref<!tpu.dma_semaphore, #tpu.memory_space<semaphore_mem>>) src(%dma_wait3A_206 : memref<64x128xf32, #tpu.memory_space<vmem>>) dst(%dma_wait3A_202 : memref<64x128xf32, #tpu.memory_space<vmem_shared>>)
        tpu.yield
      }) : () -> ()
    } else {
    }
    %add3A_32 = arith.constant 32 : i32
    %add3A_33 = arith.addi %arg1, %add3A_32 : i32
    %lt3A_34 = arith.constant 156 : i32
    %lt3A_35 = arith.cmpi slt, %add3A_33, %lt3A_34 : i32
    %convert_element_type3A_36 = arith.extui %lt3A_35 : i1 to i32
    %cond3A_37 = arith.constant 0 : i32
    %cond3A_38 = arith.cmpi ne, %convert_element_type3A_36, %cond3A_37 : i32
    scf.if %cond3A_38 {
      %mul3A_182 = arith.constant 64 : i32
      %mul3A_183 = arith.muli %add3A_33, %mul3A_182 : i32
      %run_scoped3A = arith.constant 0 : i32
      "tpu.region"() ({
        %run_scoped3A_184 = tpu.sem_alloc : memref<!tpu.dma_semaphore, #tpu.memory_space<semaphore_mem>>
        %dma_start3A = arith.constant 0 : i32
        %dma_start3A_185 = arith.constant 0 : i32
        %dma_start3A_186 = tpu.memref_slice %arg6[%run_scoped3A, %dma_start3A, %dma_start3A_185] : memref<3x64x128xf32, #tpu.memory_space<vmem>> -> memref<1x64x128xf32, #tpu.memory_space<vmem>>
        %dma_start3A_187 = tpu.memref_squeeze %dma_start3A_186 : memref<1x64x128xf32, #tpu.memory_space<vmem>> -> memref<64x128xf32, #tpu.memory_space<vmem>>
        %dma_start3A_188 = arith.constant 0 : i32
        %dma_start3A_189 = tpu.memref_slice %arg7[%mul3A_183, %dma_start3A_188] : memref<10000x128xf32, #tpu.memory_space<vmem_shared>> -> memref<64x128xf32, #tpu.memory_space<vmem_shared>>
        %dma_start3A_190 = arith.constant 0 : i32
        %dma_start3A_191 = tpu.memref_slice %arg7[%mul3A_183, %dma_start3A_190] : memref<10000x128xf32, #tpu.memory_space<vmem_shared>> -> memref<64x128xf32, #tpu.memory_space<vmem_shared>>
        %dma_start3A_192 = arith.constant 0 : i32
        %dma_start3A_193 = arith.constant 0 : i32
        %dma_start3A_194 = tpu.memref_slice %arg6[%run_scoped3A, %dma_start3A_192, %dma_start3A_193] : memref<3x64x128xf32, #tpu.memory_space<vmem>> -> memref<1x64x128xf32, #tpu.memory_space<vmem>>
        %dma_start3A_195 = tpu.memref_squeeze %dma_start3A_194 : memref<1x64x128xf32, #tpu.memory_space<vmem>> -> memref<64x128xf32, #tpu.memory_space<vmem>>
        tpu.enqueue_dma source(%dma_start3A_195 : memref<64x128xf32, #tpu.memory_space<vmem>>) target(%dma_start3A_191 : memref<64x128xf32, #tpu.memory_space<vmem_shared>>) target_semaphore(%run_scoped3A_184 : memref<!tpu.dma_semaphore, #tpu.memory_space<semaphore_mem>>)
        %dma_wait3A = arith.constant 0 : i32
        %dma_wait3A_196 = arith.constant 0 : i32
        %dma_wait3A_197 = tpu.memref_slice %arg6[%run_scoped3A, %dma_wait3A, %dma_wait3A_196] : memref<3x64x128xf32, #tpu.memory_space<vmem>> -> memref<1x64x128xf32, #tpu.memory_space<vmem>>
        %dma_wait3A_198 = tpu.memref_squeeze %dma_wait3A_197 : memref<1x64x128xf32, #tpu.memory_space<vmem>> -> memref<64x128xf32, #tpu.memory_space<vmem>>
        %dma_wait3A_199 = arith.constant 0 : i32
        %dma_wait3A_200 = tpu.memref_slice %arg7[%mul3A_183, %dma_wait3A_199] : memref<10000x128xf32, #tpu.memory_space<vmem_shared>> -> memref<64x128xf32, #tpu.memory_space<vmem_shared>>
        %dma_wait3A_201 = arith.constant 0 : i32
        %dma_wait3A_202 = tpu.memref_slice %arg7[%mul3A_183, %dma_wait3A_201] : memref<10000x128xf32, #tpu.memory_space<vmem_shared>> -> memref<64x128xf32, #tpu.memory_space<vmem_shared>>
        %dma_wait3A_203 = arith.constant 0 : i32
        %dma_wait3A_204 = arith.constant 0 : i32
        %dma_wait3A_205 = tpu.memref_slice %arg6[%run_scoped3A, %dma_wait3A_203, %dma_wait3A_204] : memref<3x64x128xf32, #tpu.memory_space<vmem>> -> memref<1x64x128xf32, #tpu.memory_space<vmem>>
        %dma_wait3A_206 = tpu.memref_squeeze %dma_wait3A_205 : memref<1x64x128xf32, #tpu.memory_space<vmem>> -> memref<64x128xf32, #tpu.memory_space<vmem>>
        tpu.wait_dma2 semaphore(%run_scoped3A_184 : memref<!tpu.dma_semaphore, #tpu.memory_space<semaphore_mem>>) src(%dma_wait3A_206 : memref<64x128xf32, #tpu.memory_space<vmem>>) dst(%dma_wait3A_202 : memref<64x128xf32, #tpu.memory_space<vmem_shared>>)
        tpu.yield
      }) : () -> ()
    } else {
    }
    %add3A_39 = arith.constant 48 : i32
    %add3A_40 = arith.addi %arg1, %add3A_39 : i32
    %lt3A_41 = arith.constant 156 : i32
    %lt3A_42 = arith.cmpi slt, %add3A_40, %lt3A_41 : i32
    %convert_element_type3A_43 = arith.extui %lt3A_42 : i1 to i32
    %cond3A_44 = arith.constant 0 : i32
    %cond3A_45 = arith.cmpi ne, %convert_element_type3A_43, %cond3A_44 : i32
    scf.if %cond3A_45 {
      %mul3A_182 = arith.constant 64 : i32
      %mul3A_183 = arith.muli %add3A_40, %mul3A_182 : i32
      %run_scoped3A = arith.constant 0 : i32
      "tpu.region"() ({
        %run_scoped3A_184 = tpu.sem_alloc : memref<!tpu.dma_semaphore, #tpu.memory_space<semaphore_mem>>
        %dma_start3A = arith.constant 0 : i32
        %dma_start3A_185 = arith.constant 0 : i32
        %dma_start3A_186 = tpu.memref_slice %arg6[%run_scoped3A, %dma_start3A, %dma_start3A_185] : memref<3x64x128xf32, #tpu.memory_space<vmem>> -> memref<1x64x128xf32, #tpu.memory_space<vmem>>
        %dma_start3A_187 = tpu.memref_squeeze %dma_start3A_186 : memref<1x64x128xf32, #tpu.memory_space<vmem>> -> memref<64x128xf32, #tpu.memory_space<vmem>>
        %dma_start3A_188 = arith.constant 0 : i32
        %dma_start3A_189 = tpu.memref_slice %arg7[%mul3A_183, %dma_start3A_188] : memref<10000x128xf32, #tpu.memory_space<vmem_shared>> -> memref<64x128xf32, #tpu.memory_space<vmem_shared>>
        %dma_start3A_190 = arith.constant 0 : i32
        %dma_start3A_191 = tpu.memref_slice %arg7[%mul3A_183, %dma_start3A_190] : memref<10000x128xf32, #tpu.memory_space<vmem_shared>> -> memref<64x128xf32, #tpu.memory_space<vmem_shared>>
        %dma_start3A_192 = arith.constant 0 : i32
        %dma_start3A_193 = arith.constant 0 : i32
        %dma_start3A_194 = tpu.memref_slice %arg6[%run_scoped3A, %dma_start3A_192, %dma_start3A_193] : memref<3x64x128xf32, #tpu.memory_space<vmem>> -> memref<1x64x128xf32, #tpu.memory_space<vmem>>
        %dma_start3A_195 = tpu.memref_squeeze %dma_start3A_194 : memref<1x64x128xf32, #tpu.memory_space<vmem>> -> memref<64x128xf32, #tpu.memory_space<vmem>>
        tpu.enqueue_dma source(%dma_start3A_195 : memref<64x128xf32, #tpu.memory_space<vmem>>) target(%dma_start3A_191 : memref<64x128xf32, #tpu.memory_space<vmem_shared>>) target_semaphore(%run_scoped3A_184 : memref<!tpu.dma_semaphore, #tpu.memory_space<semaphore_mem>>)
        %dma_wait3A = arith.constant 0 : i32
        %dma_wait3A_196 = arith.constant 0 : i32
        %dma_wait3A_197 = tpu.memref_slice %arg6[%run_scoped3A, %dma_wait3A, %dma_wait3A_196] : memref<3x64x128xf32, #tpu.memory_space<vmem>> -> memref<1x64x128xf32, #tpu.memory_space<vmem>>
        %dma_wait3A_198 = tpu.memref_squeeze %dma_wait3A_197 : memref<1x64x128xf32, #tpu.memory_space<vmem>> -> memref<64x128xf32, #tpu.memory_space<vmem>>
        %dma_wait3A_199 = arith.constant 0 : i32
        %dma_wait3A_200 = tpu.memref_slice %arg7[%mul3A_183, %dma_wait3A_199] : memref<10000x128xf32, #tpu.memory_space<vmem_shared>> -> memref<64x128xf32, #tpu.memory_space<vmem_shared>>
        %dma_wait3A_201 = arith.constant 0 : i32
        %dma_wait3A_202 = tpu.memref_slice %arg7[%mul3A_183, %dma_wait3A_201] : memref<10000x128xf32, #tpu.memory_space<vmem_shared>> -> memref<64x128xf32, #tpu.memory_space<vmem_shared>>
        %dma_wait3A_203 = arith.constant 0 : i32
        %dma_wait3A_204 = arith.constant 0 : i32
        %dma_wait3A_205 = tpu.memref_slice %arg6[%run_scoped3A, %dma_wait3A_203, %dma_wait3A_204] : memref<3x64x128xf32, #tpu.memory_space<vmem>> -> memref<1x64x128xf32, #tpu.memory_space<vmem>>
        %dma_wait3A_206 = tpu.memref_squeeze %dma_wait3A_205 : memref<1x64x128xf32, #tpu.memory_space<vmem>> -> memref<64x128xf32, #tpu.memory_space<vmem>>
        tpu.wait_dma2 semaphore(%run_scoped3A_184 : memref<!tpu.dma_semaphore, #tpu.memory_space<semaphore_mem>>) src(%dma_wait3A_206 : memref<64x128xf32, #tpu.memory_space<vmem>>) dst(%dma_wait3A_202 : memref<64x128xf32, #tpu.memory_space<vmem_shared>>)
        tpu.yield
      }) : () -> ()
    } else {
    }
    %add3A_46 = arith.constant 64 : i32
    %add3A_47 = arith.addi %arg1, %add3A_46 : i32
    %lt3A_48 = arith.constant 156 : i32
    %lt3A_49 = arith.cmpi slt, %add3A_47, %lt3A_48 : i32
    %convert_element_type3A_50 = arith.extui %lt3A_49 : i1 to i32
    %cond3A_51 = arith.constant 0 : i32
    %cond3A_52 = arith.cmpi ne, %convert_element_type3A_50, %cond3A_51 : i32
    scf.if %cond3A_52 {
      %mul3A_182 = arith.constant 64 : i32
      %mul3A_183 = arith.muli %add3A_47, %mul3A_182 : i32
      %run_scoped3A = arith.constant 0 : i32
      "tpu.region"() ({
        %run_scoped3A_184 = tpu.sem_alloc : memref<!tpu.dma_semaphore, #tpu.memory_space<semaphore_mem>>
        %dma_start3A = arith.constant 0 : i32
        %dma_start3A_185 = arith.constant 0 : i32
        %dma_start3A_186 = tpu.memref_slice %arg6[%run_scoped3A, %dma_start3A, %dma_start3A_185] : memref<3x64x128xf32, #tpu.memory_space<vmem>> -> memref<1x64x128xf32, #tpu.memory_space<vmem>>
        %dma_start3A_187 = tpu.memref_squeeze %dma_start3A_186 : memref<1x64x128xf32, #tpu.memory_space<vmem>> -> memref<64x128xf32, #tpu.memory_space<vmem>>
        %dma_start3A_188 = arith.constant 0 : i32
        %dma_start3A_189 = tpu.memref_slice %arg7[%mul3A_183, %dma_start3A_188] : memref<10000x128xf32, #tpu.memory_space<vmem_shared>> -> memref<64x128xf32, #tpu.memory_space<vmem_shared>>
        %dma_start3A_190 = arith.constant 0 : i32
        %dma_start3A_191 = tpu.memref_slice %arg7[%mul3A_183, %dma_start3A_190] : memref<10000x128xf32, #tpu.memory_space<vmem_shared>> -> memref<64x128xf32, #tpu.memory_space<vmem_shared>>
        %dma_start3A_192 = arith.constant 0 : i32
        %dma_start3A_193 = arith.constant 0 : i32
        %dma_start3A_194 = tpu.memref_slice %arg6[%run_scoped3A, %dma_start3A_192, %dma_start3A_193] : memref<3x64x128xf32, #tpu.memory_space<vmem>> -> memref<1x64x128xf32, #tpu.memory_space<vmem>>
        %dma_start3A_195 = tpu.memref_squeeze %dma_start3A_194 : memref<1x64x128xf32, #tpu.memory_space<vmem>> -> memref<64x128xf32, #tpu.memory_space<vmem>>
        tpu.enqueue_dma source(%dma_start3A_195 : memref<64x128xf32, #tpu.memory_space<vmem>>) target(%dma_start3A_191 : memref<64x128xf32, #tpu.memory_space<vmem_shared>>) target_semaphore(%run_scoped3A_184 : memref<!tpu.dma_semaphore, #tpu.memory_space<semaphore_mem>>)
        %dma_wait3A = arith.constant 0 : i32
        %dma_wait3A_196 = arith.constant 0 : i32
        %dma_wait3A_197 = tpu.memref_slice %arg6[%run_scoped3A, %dma_wait3A, %dma_wait3A_196] : memref<3x64x128xf32, #tpu.memory_space<vmem>> -> memref<1x64x128xf32, #tpu.memory_space<vmem>>
        %dma_wait3A_198 = tpu.memref_squeeze %dma_wait3A_197 : memref<1x64x128xf32, #tpu.memory_space<vmem>> -> memref<64x128xf32, #tpu.memory_space<vmem>>
        %dma_wait3A_199 = arith.constant 0 : i32
        %dma_wait3A_200 = tpu.memref_slice %arg7[%mul3A_183, %dma_wait3A_199] : memref<10000x128xf32, #tpu.memory_space<vmem_shared>> -> memref<64x128xf32, #tpu.memory_space<vmem_shared>>
        %dma_wait3A_201 = arith.constant 0 : i32
        %dma_wait3A_202 = tpu.memref_slice %arg7[%mul3A_183, %dma_wait3A_201] : memref<10000x128xf32, #tpu.memory_space<vmem_shared>> -> memref<64x128xf32, #tpu.memory_space<vmem_shared>>
        %dma_wait3A_203 = arith.constant 0 : i32
        %dma_wait3A_204 = arith.constant 0 : i32
        %dma_wait3A_205 = tpu.memref_slice %arg6[%run_scoped3A, %dma_wait3A_203, %dma_wait3A_204] : memref<3x64x128xf32, #tpu.memory_space<vmem>> -> memref<1x64x128xf32, #tpu.memory_space<vmem>>
        %dma_wait3A_206 = tpu.memref_squeeze %dma_wait3A_205 : memref<1x64x128xf32, #tpu.memory_space<vmem>> -> memref<64x128xf32, #tpu.memory_space<vmem>>
        tpu.wait_dma2 semaphore(%run_scoped3A_184 : memref<!tpu.dma_semaphore, #tpu.memory_space<semaphore_mem>>) src(%dma_wait3A_206 : memref<64x128xf32, #tpu.memory_space<vmem>>) dst(%dma_wait3A_202 : memref<64x128xf32, #tpu.memory_space<vmem_shared>>)
        tpu.yield
      }) : () -> ()
    } else {
    }
    %add3A_53 = arith.constant 80 : i32
    %add3A_54 = arith.addi %arg1, %add3A_53 : i32
    %lt3A_55 = arith.constant 156 : i32
    %lt3A_56 = arith.cmpi slt, %add3A_54, %lt3A_55 : i32
    %convert_element_type3A_57 = arith.extui %lt3A_56 : i1 to i32
    %cond3A_58 = arith.constant 0 : i32
    %cond3A_59 = arith.cmpi ne, %convert_element_type3A_57, %cond3A_58 : i32
    scf.if %cond3A_59 {
      %mul3A_182 = arith.constant 64 : i32
      %mul3A_183 = arith.muli %add3A_54, %mul3A_182 : i32
      %run_scoped3A = arith.constant 0 : i32
      "tpu.region"() ({
        %run_scoped3A_184 = tpu.sem_alloc : memref<!tpu.dma_semaphore, #tpu.memory_space<semaphore_mem>>
        %dma_start3A = arith.constant 0 : i32
        %dma_start3A_185 = arith.constant 0 : i32
        %dma_start3A_186 = tpu.memref_slice %arg6[%run_scoped3A, %dma_start3A, %dma_start3A_185] : memref<3x64x128xf32, #tpu.memory_space<vmem>> -> memref<1x64x128xf32, #tpu.memory_space<vmem>>
        %dma_start3A_187 = tpu.memref_squeeze %dma_start3A_186 : memref<1x64x128xf32, #tpu.memory_space<vmem>> -> memref<64x128xf32, #tpu.memory_space<vmem>>
        %dma_start3A_188 = arith.constant 0 : i32
        %dma_start3A_189 = tpu.memref_slice %arg7[%mul3A_183, %dma_start3A_188] : memref<10000x128xf32, #tpu.memory_space<vmem_shared>> -> memref<64x128xf32, #tpu.memory_space<vmem_shared>>
        %dma_start3A_190 = arith.constant 0 : i32
        %dma_start3A_191 = tpu.memref_slice %arg7[%mul3A_183, %dma_start3A_190] : memref<10000x128xf32, #tpu.memory_space<vmem_shared>> -> memref<64x128xf32, #tpu.memory_space<vmem_shared>>
        %dma_start3A_192 = arith.constant 0 : i32
        %dma_start3A_193 = arith.constant 0 : i32
        %dma_start3A_194 = tpu.memref_slice %arg6[%run_scoped3A, %dma_start3A_192, %dma_start3A_193] : memref<3x64x128xf32, #tpu.memory_space<vmem>> -> memref<1x64x128xf32, #tpu.memory_space<vmem>>
        %dma_start3A_195 = tpu.memref_squeeze %dma_start3A_194 : memref<1x64x128xf32, #tpu.memory_space<vmem>> -> memref<64x128xf32, #tpu.memory_space<vmem>>
        tpu.enqueue_dma source(%dma_start3A_195 : memref<64x128xf32, #tpu.memory_space<vmem>>) target(%dma_start3A_191 : memref<64x128xf32, #tpu.memory_space<vmem_shared>>) target_semaphore(%run_scoped3A_184 : memref<!tpu.dma_semaphore, #tpu.memory_space<semaphore_mem>>)
        %dma_wait3A = arith.constant 0 : i32
        %dma_wait3A_196 = arith.constant 0 : i32
        %dma_wait3A_197 = tpu.memref_slice %arg6[%run_scoped3A, %dma_wait3A, %dma_wait3A_196] : memref<3x64x128xf32, #tpu.memory_space<vmem>> -> memref<1x64x128xf32, #tpu.memory_space<vmem>>
        %dma_wait3A_198 = tpu.memref_squeeze %dma_wait3A_197 : memref<1x64x128xf32, #tpu.memory_space<vmem>> -> memref<64x128xf32, #tpu.memory_space<vmem>>
        %dma_wait3A_199 = arith.constant 0 : i32
        %dma_wait3A_200 = tpu.memref_slice %arg7[%mul3A_183, %dma_wait3A_199] : memref<10000x128xf32, #tpu.memory_space<vmem_shared>> -> memref<64x128xf32, #tpu.memory_space<vmem_shared>>
        %dma_wait3A_201 = arith.constant 0 : i32
        %dma_wait3A_202 = tpu.memref_slice %arg7[%mul3A_183, %dma_wait3A_201] : memref<10000x128xf32, #tpu.memory_space<vmem_shared>> -> memref<64x128xf32, #tpu.memory_space<vmem_shared>>
        %dma_wait3A_203 = arith.constant 0 : i32
        %dma_wait3A_204 = arith.constant 0 : i32
        %dma_wait3A_205 = tpu.memref_slice %arg6[%run_scoped3A, %dma_wait3A_203, %dma_wait3A_204] : memref<3x64x128xf32, #tpu.memory_space<vmem>> -> memref<1x64x128xf32, #tpu.memory_space<vmem>>
        %dma_wait3A_206 = tpu.memref_squeeze %dma_wait3A_205 : memref<1x64x128xf32, #tpu.memory_space<vmem>> -> memref<64x128xf32, #tpu.memory_space<vmem>>
        tpu.wait_dma2 semaphore(%run_scoped3A_184 : memref<!tpu.dma_semaphore, #tpu.memory_space<semaphore_mem>>) src(%dma_wait3A_206 : memref<64x128xf32, #tpu.memory_space<vmem>>) dst(%dma_wait3A_202 : memref<64x128xf32, #tpu.memory_space<vmem_shared>>)
        tpu.yield
      }) : () -> ()
    } else {
    }
    %add3A_60 = arith.constant 96 : i32
    %add3A_61 = arith.addi %arg1, %add3A_60 : i32
    %lt3A_62 = arith.constant 156 : i32
    %lt3A_63 = arith.cmpi slt, %add3A_61, %lt3A_62 : i32
    %convert_element_type3A_64 = arith.extui %lt3A_63 : i1 to i32
    %cond3A_65 = arith.constant 0 : i32
    %cond3A_66 = arith.cmpi ne, %convert_element_type3A_64, %cond3A_65 : i32
    scf.if %cond3A_66 {
      %mul3A_182 = arith.constant 64 : i32
      %mul3A_183 = arith.muli %add3A_61, %mul3A_182 : i32
      %run_scoped3A = arith.constant 0 : i32
      "tpu.region"() ({
        %run_scoped3A_184 = tpu.sem_alloc : memref<!tpu.dma_semaphore, #tpu.memory_space<semaphore_mem>>
        %dma_start3A = arith.constant 0 : i32
        %dma_start3A_185 = arith.constant 0 : i32
        %dma_start3A_186 = tpu.memref_slice %arg6[%run_scoped3A, %dma_start3A, %dma_start3A_185] : memref<3x64x128xf32, #tpu.memory_space<vmem>> -> memref<1x64x128xf32, #tpu.memory_space<vmem>>
        %dma_start3A_187 = tpu.memref_squeeze %dma_start3A_186 : memref<1x64x128xf32, #tpu.memory_space<vmem>> -> memref<64x128xf32, #tpu.memory_space<vmem>>
        %dma_start3A_188 = arith.constant 0 : i32
        %dma_start3A_189 = tpu.memref_slice %arg7[%mul3A_183, %dma_start3A_188] : memref<10000x128xf32, #tpu.memory_space<vmem_shared>> -> memref<64x128xf32, #tpu.memory_space<vmem_shared>>
        %dma_start3A_190 = arith.constant 0 : i32
        %dma_start3A_191 = tpu.memref_slice %arg7[%mul3A_183, %dma_start3A_190] : memref<10000x128xf32, #tpu.memory_space<vmem_shared>> -> memref<64x128xf32, #tpu.memory_space<vmem_shared>>
        %dma_start3A_192 = arith.constant 0 : i32
        %dma_start3A_193 = arith.constant 0 : i32
        %dma_start3A_194 = tpu.memref_slice %arg6[%run_scoped3A, %dma_start3A_192, %dma_start3A_193] : memref<3x64x128xf32, #tpu.memory_space<vmem>> -> memref<1x64x128xf32, #tpu.memory_space<vmem>>
        %dma_start3A_195 = tpu.memref_squeeze %dma_start3A_194 : memref<1x64x128xf32, #tpu.memory_space<vmem>> -> memref<64x128xf32, #tpu.memory_space<vmem>>
        tpu.enqueue_dma source(%dma_start3A_195 : memref<64x128xf32, #tpu.memory_space<vmem>>) target(%dma_start3A_191 : memref<64x128xf32, #tpu.memory_space<vmem_shared>>) target_semaphore(%run_scoped3A_184 : memref<!tpu.dma_semaphore, #tpu.memory_space<semaphore_mem>>)
        %dma_wait3A = arith.constant 0 : i32
        %dma_wait3A_196 = arith.constant 0 : i32
        %dma_wait3A_197 = tpu.memref_slice %arg6[%run_scoped3A, %dma_wait3A, %dma_wait3A_196] : memref<3x64x128xf32, #tpu.memory_space<vmem>> -> memref<1x64x128xf32, #tpu.memory_space<vmem>>
        %dma_wait3A_198 = tpu.memref_squeeze %dma_wait3A_197 : memref<1x64x128xf32, #tpu.memory_space<vmem>> -> memref<64x128xf32, #tpu.memory_space<vmem>>
        %dma_wait3A_199 = arith.constant 0 : i32
        %dma_wait3A_200 = tpu.memref_slice %arg7[%mul3A_183, %dma_wait3A_199] : memref<10000x128xf32, #tpu.memory_space<vmem_shared>> -> memref<64x128xf32, #tpu.memory_space<vmem_shared>>
        %dma_wait3A_201 = arith.constant 0 : i32
        %dma_wait3A_202 = tpu.memref_slice %arg7[%mul3A_183, %dma_wait3A_201] : memref<10000x128xf32, #tpu.memory_space<vmem_shared>> -> memref<64x128xf32, #tpu.memory_space<vmem_shared>>
        %dma_wait3A_203 = arith.constant 0 : i32
        %dma_wait3A_204 = arith.constant 0 : i32
        %dma_wait3A_205 = tpu.memref_slice %arg6[%run_scoped3A, %dma_wait3A_203, %dma_wait3A_204] : memref<3x64x128xf32, #tpu.memory_space<vmem>> -> memref<1x64x128xf32, #tpu.memory_space<vmem>>
        %dma_wait3A_206 = tpu.memref_squeeze %dma_wait3A_205 : memref<1x64x128xf32, #tpu.memory_space<vmem>> -> memref<64x128xf32, #tpu.memory_space<vmem>>
        tpu.wait_dma2 semaphore(%run_scoped3A_184 : memref<!tpu.dma_semaphore, #tpu.memory_space<semaphore_mem>>) src(%dma_wait3A_206 : memref<64x128xf32, #tpu.memory_space<vmem>>) dst(%dma_wait3A_202 : memref<64x128xf32, #tpu.memory_space<vmem_shared>>)
        tpu.yield
      }) : () -> ()
    } else {
    }
    %add3A_67 = arith.constant 112 : i32
    %add3A_68 = arith.addi %arg1, %add3A_67 : i32
    %lt3A_69 = arith.constant 156 : i32
    %lt3A_70 = arith.cmpi slt, %add3A_68, %lt3A_69 : i32
    %convert_element_type3A_71 = arith.extui %lt3A_70 : i1 to i32
    %cond3A_72 = arith.constant 0 : i32
    %cond3A_73 = arith.cmpi ne, %convert_element_type3A_71, %cond3A_72 : i32
    scf.if %cond3A_73 {
      %mul3A_182 = arith.constant 64 : i32
      %mul3A_183 = arith.muli %add3A_68, %mul3A_182 : i32
      %run_scoped3A = arith.constant 0 : i32
      "tpu.region"() ({
        %run_scoped3A_184 = tpu.sem_alloc : memref<!tpu.dma_semaphore, #tpu.memory_space<semaphore_mem>>
        %dma_start3A = arith.constant 0 : i32
        %dma_start3A_185 = arith.constant 0 : i32
        %dma_start3A_186 = tpu.memref_slice %arg6[%run_scoped3A, %dma_start3A, %dma_start3A_185] : memref<3x64x128xf32, #tpu.memory_space<vmem>> -> memref<1x64x128xf32, #tpu.memory_space<vmem>>
        %dma_start3A_187 = tpu.memref_squeeze %dma_start3A_186 : memref<1x64x128xf32, #tpu.memory_space<vmem>> -> memref<64x128xf32, #tpu.memory_space<vmem>>
        %dma_start3A_188 = arith.constant 0 : i32
        %dma_start3A_189 = tpu.memref_slice %arg7[%mul3A_183, %dma_start3A_188] : memref<10000x128xf32, #tpu.memory_space<vmem_shared>> -> memref<64x128xf32, #tpu.memory_space<vmem_shared>>
        %dma_start3A_190 = arith.constant 0 : i32
        %dma_start3A_191 = tpu.memref_slice %arg7[%mul3A_183, %dma_start3A_190] : memref<10000x128xf32, #tpu.memory_space<vmem_shared>> -> memref<64x128xf32, #tpu.memory_space<vmem_shared>>
        %dma_start3A_192 = arith.constant 0 : i32
        %dma_start3A_193 = arith.constant 0 : i32
        %dma_start3A_194 = tpu.memref_slice %arg6[%run_scoped3A, %dma_start3A_192, %dma_start3A_193] : memref<3x64x128xf32, #tpu.memory_space<vmem>> -> memref<1x64x128xf32, #tpu.memory_space<vmem>>
        %dma_start3A_195 = tpu.memref_squeeze %dma_start3A_194 : memref<1x64x128xf32, #tpu.memory_space<vmem>> -> memref<64x128xf32, #tpu.memory_space<vmem>>
        tpu.enqueue_dma source(%dma_start3A_195 : memref<64x128xf32, #tpu.memory_space<vmem>>) target(%dma_start3A_191 : memref<64x128xf32, #tpu.memory_space<vmem_shared>>) target_semaphore(%run_scoped3A_184 : memref<!tpu.dma_semaphore, #tpu.memory_space<semaphore_mem>>)
        %dma_wait3A = arith.constant 0 : i32
        %dma_wait3A_196 = arith.constant 0 : i32
        %dma_wait3A_197 = tpu.memref_slice %arg6[%run_scoped3A, %dma_wait3A, %dma_wait3A_196] : memref<3x64x128xf32, #tpu.memory_space<vmem>> -> memref<1x64x128xf32, #tpu.memory_space<vmem>>
        %dma_wait3A_198 = tpu.memref_squeeze %dma_wait3A_197 : memref<1x64x128xf32, #tpu.memory_space<vmem>> -> memref<64x128xf32, #tpu.memory_space<vmem>>
        %dma_wait3A_199 = arith.constant 0 : i32
        %dma_wait3A_200 = tpu.memref_slice %arg7[%mul3A_183, %dma_wait3A_199] : memref<10000x128xf32, #tpu.memory_space<vmem_shared>> -> memref<64x128xf32, #tpu.memory_space<vmem_shared>>
        %dma_wait3A_201 = arith.constant 0 : i32
        %dma_wait3A_202 = tpu.memref_slice %arg7[%mul3A_183, %dma_wait3A_201] : memref<10000x128xf32, #tpu.memory_space<vmem_shared>> -> memref<64x128xf32, #tpu.memory_space<vmem_shared>>
        %dma_wait3A_203 = arith.constant 0 : i32
        %dma_wait3A_204 = arith.constant 0 : i32
        %dma_wait3A_205 = tpu.memref_slice %arg6[%run_scoped3A, %dma_wait3A_203, %dma_wait3A_204] : memref<3x64x128xf32, #tpu.memory_space<vmem>> -> memref<1x64x128xf32, #tpu.memory_space<vmem>>
        %dma_wait3A_206 = tpu.memref_squeeze %dma_wait3A_205 : memref<1x64x128xf32, #tpu.memory_space<vmem>> -> memref<64x128xf32, #tpu.memory_space<vmem>>
        tpu.wait_dma2 semaphore(%run_scoped3A_184 : memref<!tpu.dma_semaphore, #tpu.memory_space<semaphore_mem>>) src(%dma_wait3A_206 : memref<64x128xf32, #tpu.memory_space<vmem>>) dst(%dma_wait3A_202 : memref<64x128xf32, #tpu.memory_space<vmem_shared>>)
        tpu.yield
      }) : () -> ()
    } else {
    }
    %add3A_74 = arith.constant 128 : i32
    %add3A_75 = arith.addi %arg1, %add3A_74 : i32
    %lt3A_76 = arith.constant 156 : i32
    %lt3A_77 = arith.cmpi slt, %add3A_75, %lt3A_76 : i32
    %convert_element_type3A_78 = arith.extui %lt3A_77 : i1 to i32
    %cond3A_79 = arith.constant 0 : i32
    %cond3A_80 = arith.cmpi ne, %convert_element_type3A_78, %cond3A_79 : i32
    scf.if %cond3A_80 {
      %mul3A_182 = arith.constant 64 : i32
      %mul3A_183 = arith.muli %add3A_75, %mul3A_182 : i32
      %run_scoped3A = arith.constant 0 : i32
      "tpu.region"() ({
        %run_scoped3A_184 = tpu.sem_alloc : memref<!tpu.dma_semaphore, #tpu.memory_space<semaphore_mem>>
        %dma_start3A = arith.constant 0 : i32
        %dma_start3A_185 = arith.constant 0 : i32
        %dma_start3A_186 = tpu.memref_slice %arg6[%run_scoped3A, %dma_start3A, %dma_start3A_185] : memref<3x64x128xf32, #tpu.memory_space<vmem>> -> memref<1x64x128xf32, #tpu.memory_space<vmem>>
        %dma_start3A_187 = tpu.memref_squeeze %dma_start3A_186 : memref<1x64x128xf32, #tpu.memory_space<vmem>> -> memref<64x128xf32, #tpu.memory_space<vmem>>
        %dma_start3A_188 = arith.constant 0 : i32
        %dma_start3A_189 = tpu.memref_slice %arg7[%mul3A_183, %dma_start3A_188] : memref<10000x128xf32, #tpu.memory_space<vmem_shared>> -> memref<64x128xf32, #tpu.memory_space<vmem_shared>>
        %dma_start3A_190 = arith.constant 0 : i32
        %dma_start3A_191 = tpu.memref_slice %arg7[%mul3A_183, %dma_start3A_190] : memref<10000x128xf32, #tpu.memory_space<vmem_shared>> -> memref<64x128xf32, #tpu.memory_space<vmem_shared>>
        %dma_start3A_192 = arith.constant 0 : i32
        %dma_start3A_193 = arith.constant 0 : i32
        %dma_start3A_194 = tpu.memref_slice %arg6[%run_scoped3A, %dma_start3A_192, %dma_start3A_193] : memref<3x64x128xf32, #tpu.memory_space<vmem>> -> memref<1x64x128xf32, #tpu.memory_space<vmem>>
        %dma_start3A_195 = tpu.memref_squeeze %dma_start3A_194 : memref<1x64x128xf32, #tpu.memory_space<vmem>> -> memref<64x128xf32, #tpu.memory_space<vmem>>
        tpu.enqueue_dma source(%dma_start3A_195 : memref<64x128xf32, #tpu.memory_space<vmem>>) target(%dma_start3A_191 : memref<64x128xf32, #tpu.memory_space<vmem_shared>>) target_semaphore(%run_scoped3A_184 : memref<!tpu.dma_semaphore, #tpu.memory_space<semaphore_mem>>)
        %dma_wait3A = arith.constant 0 : i32
        %dma_wait3A_196 = arith.constant 0 : i32
        %dma_wait3A_197 = tpu.memref_slice %arg6[%run_scoped3A, %dma_wait3A, %dma_wait3A_196] : memref<3x64x128xf32, #tpu.memory_space<vmem>> -> memref<1x64x128xf32, #tpu.memory_space<vmem>>
        %dma_wait3A_198 = tpu.memref_squeeze %dma_wait3A_197 : memref<1x64x128xf32, #tpu.memory_space<vmem>> -> memref<64x128xf32, #tpu.memory_space<vmem>>
        %dma_wait3A_199 = arith.constant 0 : i32
        %dma_wait3A_200 = tpu.memref_slice %arg7[%mul3A_183, %dma_wait3A_199] : memref<10000x128xf32, #tpu.memory_space<vmem_shared>> -> memref<64x128xf32, #tpu.memory_space<vmem_shared>>
        %dma_wait3A_201 = arith.constant 0 : i32
        %dma_wait3A_202 = tpu.memref_slice %arg7[%mul3A_183, %dma_wait3A_201] : memref<10000x128xf32, #tpu.memory_space<vmem_shared>> -> memref<64x128xf32, #tpu.memory_space<vmem_shared>>
        %dma_wait3A_203 = arith.constant 0 : i32
        %dma_wait3A_204 = arith.constant 0 : i32
        %dma_wait3A_205 = tpu.memref_slice %arg6[%run_scoped3A, %dma_wait3A_203, %dma_wait3A_204] : memref<3x64x128xf32, #tpu.memory_space<vmem>> -> memref<1x64x128xf32, #tpu.memory_space<vmem>>
        %dma_wait3A_206 = tpu.memref_squeeze %dma_wait3A_205 : memref<1x64x128xf32, #tpu.memory_space<vmem>> -> memref<64x128xf32, #tpu.memory_space<vmem>>
        tpu.wait_dma2 semaphore(%run_scoped3A_184 : memref<!tpu.dma_semaphore, #tpu.memory_space<semaphore_mem>>) src(%dma_wait3A_206 : memref<64x128xf32, #tpu.memory_space<vmem>>) dst(%dma_wait3A_202 : memref<64x128xf32, #tpu.memory_space<vmem_shared>>)
        tpu.yield
      }) : () -> ()
    } else {
    }
    %add3A_81 = arith.constant 144 : i32
    %add3A_82 = arith.addi %arg1, %add3A_81 : i32
    %lt3A_83 = arith.constant 156 : i32
    %lt3A_84 = arith.cmpi slt, %add3A_82, %lt3A_83 : i32
    %convert_element_type3A_85 = arith.extui %lt3A_84 : i1 to i32
    %cond3A_86 = arith.constant 0 : i32
    %cond3A_87 = arith.cmpi ne, %convert_element_type3A_85, %cond3A_86 : i32
    scf.if %cond3A_87 {
      %mul3A_182 = arith.constant 64 : i32
      %mul3A_183 = arith.muli %add3A_82, %mul3A_182 : i32
      %run_scoped3A = arith.constant 0 : i32
      "tpu.region"() ({
        %run_scoped3A_184 = tpu.sem_alloc : memref<!tpu.dma_semaphore, #tpu.memory_space<semaphore_mem>>
        %dma_start3A = arith.constant 0 : i32
        %dma_start3A_185 = arith.constant 0 : i32
        %dma_start3A_186 = tpu.memref_slice %arg6[%run_scoped3A, %dma_start3A, %dma_start3A_185] : memref<3x64x128xf32, #tpu.memory_space<vmem>> -> memref<1x64x128xf32, #tpu.memory_space<vmem>>
        %dma_start3A_187 = tpu.memref_squeeze %dma_start3A_186 : memref<1x64x128xf32, #tpu.memory_space<vmem>> -> memref<64x128xf32, #tpu.memory_space<vmem>>
        %dma_start3A_188 = arith.constant 0 : i32
        %dma_start3A_189 = tpu.memref_slice %arg7[%mul3A_183, %dma_start3A_188] : memref<10000x128xf32, #tpu.memory_space<vmem_shared>> -> memref<64x128xf32, #tpu.memory_space<vmem_shared>>
        %dma_start3A_190 = arith.constant 0 : i32
        %dma_start3A_191 = tpu.memref_slice %arg7[%mul3A_183, %dma_start3A_190] : memref<10000x128xf32, #tpu.memory_space<vmem_shared>> -> memref<64x128xf32, #tpu.memory_space<vmem_shared>>
        %dma_start3A_192 = arith.constant 0 : i32
        %dma_start3A_193 = arith.constant 0 : i32
        %dma_start3A_194 = tpu.memref_slice %arg6[%run_scoped3A, %dma_start3A_192, %dma_start3A_193] : memref<3x64x128xf32, #tpu.memory_space<vmem>> -> memref<1x64x128xf32, #tpu.memory_space<vmem>>
        %dma_start3A_195 = tpu.memref_squeeze %dma_start3A_194 : memref<1x64x128xf32, #tpu.memory_space<vmem>> -> memref<64x128xf32, #tpu.memory_space<vmem>>
        tpu.enqueue_dma source(%dma_start3A_195 : memref<64x128xf32, #tpu.memory_space<vmem>>) target(%dma_start3A_191 : memref<64x128xf32, #tpu.memory_space<vmem_shared>>) target_semaphore(%run_scoped3A_184 : memref<!tpu.dma_semaphore, #tpu.memory_space<semaphore_mem>>)
        %dma_wait3A = arith.constant 0 : i32
        %dma_wait3A_196 = arith.constant 0 : i32
        %dma_wait3A_197 = tpu.memref_slice %arg6[%run_scoped3A, %dma_wait3A, %dma_wait3A_196] : memref<3x64x128xf32, #tpu.memory_space<vmem>> -> memref<1x64x128xf32, #tpu.memory_space<vmem>>
        %dma_wait3A_198 = tpu.memref_squeeze %dma_wait3A_197 : memref<1x64x128xf32, #tpu.memory_space<vmem>> -> memref<64x128xf32, #tpu.memory_space<vmem>>
        %dma_wait3A_199 = arith.constant 0 : i32
        %dma_wait3A_200 = tpu.memref_slice %arg7[%mul3A_183, %dma_wait3A_199] : memref<10000x128xf32, #tpu.memory_space<vmem_shared>> -> memref<64x128xf32, #tpu.memory_space<vmem_shared>>
        %dma_wait3A_201 = arith.constant 0 : i32
        %dma_wait3A_202 = tpu.memref_slice %arg7[%mul3A_183, %dma_wait3A_201] : memref<10000x128xf32, #tpu.memory_space<vmem_shared>> -> memref<64x128xf32, #tpu.memory_space<vmem_shared>>
        %dma_wait3A_203 = arith.constant 0 : i32
        %dma_wait3A_204 = arith.constant 0 : i32
        %dma_wait3A_205 = tpu.memref_slice %arg6[%run_scoped3A, %dma_wait3A_203, %dma_wait3A_204] : memref<3x64x128xf32, #tpu.memory_space<vmem>> -> memref<1x64x128xf32, #tpu.memory_space<vmem>>
        %dma_wait3A_206 = tpu.memref_squeeze %dma_wait3A_205 : memref<1x64x128xf32, #tpu.memory_space<vmem>> -> memref<64x128xf32, #tpu.memory_space<vmem>>
        tpu.wait_dma2 semaphore(%run_scoped3A_184 : memref<!tpu.dma_semaphore, #tpu.memory_space<semaphore_mem>>) src(%dma_wait3A_206 : memref<64x128xf32, #tpu.memory_space<vmem>>) dst(%dma_wait3A_202 : memref<64x128xf32, #tpu.memory_space<vmem_shared>>)
        tpu.yield
      }) : () -> ()
    } else {
    }
    %eq3A = arith.constant 0 : i32
    %eq3A_88 = arith.cmpi eq, %arg1, %eq3A : i32
    %convert_element_type3A_89 = arith.extui %eq3A_88 : i1 to i32
    %cond3A_90 = arith.constant 0 : i32
    %cond3A_91 = arith.cmpi ne, %convert_element_type3A_89, %cond3A_90 : i32
    scf.if %cond3A_91 {
      %run_scoped3A = arith.constant 0 : i32
      "tpu.region"() ({
        %run_scoped3A_182 = tpu.sem_alloc : memref<!tpu.dma_semaphore, #tpu.memory_space<semaphore_mem>>
        %dma_start3A = arith.constant 0 : i32
        %dma_start3A_183 = arith.constant 0 : i32
        %dma_start3A_184 = tpu.memref_slice %arg6[%run_scoped3A, %dma_start3A, %dma_start3A_183] : memref<3x64x128xf32, #tpu.memory_space<vmem>> -> memref<1x16x128xf32, #tpu.memory_space<vmem>>
        %dma_start3A_185 = tpu.memref_squeeze %dma_start3A_184 : memref<1x16x128xf32, #tpu.memory_space<vmem>> -> memref<16x128xf32, #tpu.memory_space<vmem>>
        %dma_start3A_186 = arith.constant 9984 : i32
        %dma_start3A_187 = arith.constant 0 : i32
        %dma_start3A_188 = tpu.memref_slice %arg7[%dma_start3A_186, %dma_start3A_187] : memref<10000x128xf32, #tpu.memory_space<vmem_shared>> -> memref<16x128xf32, #tpu.memory_space<vmem_shared>>
        %dma_start3A_189 = arith.constant 9984 : i32
        %dma_start3A_190 = arith.constant 0 : i32
        %dma_start3A_191 = tpu.memref_slice %arg7[%dma_start3A_189, %dma_start3A_190] : memref<10000x128xf32, #tpu.memory_space<vmem_shared>> -> memref<16x128xf32, #tpu.memory_space<vmem_shared>>
        %dma_start3A_192 = arith.constant 0 : i32
        %dma_start3A_193 = arith.constant 0 : i32
        %dma_start3A_194 = tpu.memref_slice %arg6[%run_scoped3A, %dma_start3A_192, %dma_start3A_193] : memref<3x64x128xf32, #tpu.memory_space<vmem>> -> memref<1x16x128xf32, #tpu.memory_space<vmem>>
        %dma_start3A_195 = tpu.memref_squeeze %dma_start3A_194 : memref<1x16x128xf32, #tpu.memory_space<vmem>> -> memref<16x128xf32, #tpu.memory_space<vmem>>
        tpu.enqueue_dma source(%dma_start3A_195 : memref<16x128xf32, #tpu.memory_space<vmem>>) target(%dma_start3A_191 : memref<16x128xf32, #tpu.memory_space<vmem_shared>>) target_semaphore(%run_scoped3A_182 : memref<!tpu.dma_semaphore, #tpu.memory_space<semaphore_mem>>)
        %dma_wait3A = arith.constant 0 : i32
        %dma_wait3A_196 = arith.constant 0 : i32
        %dma_wait3A_197 = tpu.memref_slice %arg6[%run_scoped3A, %dma_wait3A, %dma_wait3A_196] : memref<3x64x128xf32, #tpu.memory_space<vmem>> -> memref<1x16x128xf32, #tpu.memory_space<vmem>>
        %dma_wait3A_198 = tpu.memref_squeeze %dma_wait3A_197 : memref<1x16x128xf32, #tpu.memory_space<vmem>> -> memref<16x128xf32, #tpu.memory_space<vmem>>
        %dma_wait3A_199 = arith.constant 9984 : i32
        %dma_wait3A_200 = arith.constant 0 : i32
        %dma_wait3A_201 = tpu.memref_slice %arg7[%dma_wait3A_199, %dma_wait3A_200] : memref<10000x128xf32, #tpu.memory_space<vmem_shared>> -> memref<16x128xf32, #tpu.memory_space<vmem_shared>>
        %dma_wait3A_202 = arith.constant 9984 : i32
        %dma_wait3A_203 = arith.constant 0 : i32
        %dma_wait3A_204 = tpu.memref_slice %arg7[%dma_wait3A_202, %dma_wait3A_203] : memref<10000x128xf32, #tpu.memory_space<vmem_shared>> -> memref<16x128xf32, #tpu.memory_space<vmem_shared>>
        %dma_wait3A_205 = arith.constant 0 : i32
        %dma_wait3A_206 = arith.constant 0 : i32
        %dma_wait3A_207 = tpu.memref_slice %arg6[%run_scoped3A, %dma_wait3A_205, %dma_wait3A_206] : memref<3x64x128xf32, #tpu.memory_space<vmem>> -> memref<1x16x128xf32, #tpu.memory_space<vmem>>
        %dma_wait3A_208 = tpu.memref_squeeze %dma_wait3A_207 : memref<1x16x128xf32, #tpu.memory_space<vmem>> -> memref<16x128xf32, #tpu.memory_space<vmem>>
        tpu.wait_dma2 semaphore(%run_scoped3A_182 : memref<!tpu.dma_semaphore, #tpu.memory_space<semaphore_mem>>) src(%dma_wait3A_208 : memref<16x128xf32, #tpu.memory_space<vmem>>) dst(%dma_wait3A_204 : memref<16x128xf32, #tpu.memory_space<vmem_shared>>)
        tpu.yield
      }) : () -> ()
    } else {
    }
    %barrier3A = arith.constant 0 : index
    tpu.barrier barrier_id(%barrier3A)
    %add3A_92 = arith.constant 3 : i32
    %add3A_93 = arith.addi %mul3A_2, %add3A_92 : i32
    %sub3A = arith.constant 1 : i32
    %sub3A_94 = arith.subi %add3A_93, %sub3A : i32
    %lt3A_95 = arith.constant 2500 : i32
    %lt3A_96 = arith.cmpi slt, %sub3A_94, %lt3A_95 : i32
    %convert_element_type3A_97 = arith.extui %lt3A_96 : i1 to i32
    %cond3A_98 = arith.constant 0 : i32
    %cond3A_99 = arith.cmpi ne, %convert_element_type3A_97, %cond3A_98 : i32
    scf.if %cond3A_99 {
      %add3A_182 = arith.constant 3 : i32
      %add3A_183 = arith.addi %mul3A_2, %add3A_182 : i32
      %sub3A_184 = arith.constant 1 : i32
      %sub3A_185 = arith.subi %add3A_183, %sub3A_184 : i32
      %mul3A_186 = arith.constant 64 : i32
      %mul3A_187 = arith.muli %sub3A_185, %mul3A_186 : i32
      %dma_start3A = arith.constant 0 : i32
      %dma_start3A_188 = arith.constant 0 : i32
      %dma_start3A_189 = arith.constant 0 : i32
      %dma_start3A_190 = tpu.memref_slice %arg6[%dma_start3A, %dma_start3A_188, %dma_start3A_189] : memref<3x64x128xf32, #tpu.memory_space<vmem>> -> memref<1x64x128xf32, #tpu.memory_space<vmem>>
      %dma_start3A_191 = tpu.memref_squeeze %dma_start3A_190 : memref<1x64x128xf32, #tpu.memory_space<vmem>> -> memref<64x128xf32, #tpu.memory_space<vmem>>
      %dma_start3A_192 = tpu.memref_slice %arg2[%mul3A_187, %mul3A_0] : memref<160000x256xf32, #tpu.memory_space<hbm>> -> memref<64x128xf32, #tpu.memory_space<hbm>>
      %dma_start3A_193 = arith.constant 0 : i32
      %dma_start3A_194 = arith.constant 0 : i32
      %dma_start3A_195 = tpu.memref_slice %arg6[%dma_start3A, %dma_start3A_193, %dma_start3A_194] : memref<3x64x128xf32, #tpu.memory_space<vmem>> -> memref<1x64x128xf32, #tpu.memory_space<vmem>>
      %dma_start3A_196 = tpu.memref_squeeze %dma_start3A_195 : memref<1x64x128xf32, #tpu.memory_space<vmem>> -> memref<64x128xf32, #tpu.memory_space<vmem>>
      %dma_start3A_197 = tpu.memref_slice %arg2[%mul3A_187, %mul3A_0] : memref<160000x256xf32, #tpu.memory_space<hbm>> -> memref<64x128xf32, #tpu.memory_space<hbm>>
      tpu.enqueue_dma source(%dma_start3A_197 : memref<64x128xf32, #tpu.memory_space<hbm>>) target(%dma_start3A_196 : memref<64x128xf32, #tpu.memory_space<vmem>>) target_semaphore(%arg8 : memref<!tpu.dma_semaphore, #tpu.memory_space<semaphore_mem>>)
    } else {
    }
    %scan3A_100 = arith.constant 0 : i32
    %scan3A_101 = arith.constant 0 : i32
    %scan3A_102 = arith.constant 54 : i32
    %scan3A_103 = arith.addi %scan3A_101, %scan3A_102 : i32
    %scan3A_104 = arith.constant 1 : i32
    scf.for %scan3A_182 = %scan3A_101 to %scan3A_103 step %scan3A_104  : i32 {
      %mul3A_183 = arith.constant 3 : i32
      %mul3A_184 = arith.muli %scan3A_182, %mul3A_183 : i32
      %add3A_185 = arith.constant 0 : i32
      %add3A_186 = arith.addi %mul3A_184, %add3A_185 : i32
      %add3A_187 = arith.addi %mul3A_2, %add3A_186 : i32
      %lt3A_188 = arith.constant 160 : i32
      %lt3A_189 = arith.cmpi slt, %add3A_186, %lt3A_188 : i32
      %lt3A_190 = arith.constant 2500 : i32
      %lt3A_191 = arith.cmpi slt, %add3A_187, %lt3A_190 : i32
      %and3A = arith.andi %lt3A_189, %lt3A_191 : i1
      %convert_element_type3A_192 = arith.extui %and3A : i1 to i32
      %cond3A_193 = arith.constant 0 : i32
      %cond3A_194 = arith.cmpi ne, %convert_element_type3A_192, %cond3A_193 : i32
      scf.if %cond3A_194 {
        %mul3A_221 = arith.constant 64 : i32
        %mul3A_222 = arith.muli %add3A_187, %mul3A_221 : i32
        %dma_wait3A = arith.constant 1 : i32
        %dma_wait3A_223 = arith.constant 0 : i32
        %dma_wait3A_224 = arith.constant 0 : i32
        %dma_wait3A_225 = tpu.memref_slice %arg6[%dma_wait3A, %dma_wait3A_223, %dma_wait3A_224] : memref<3x64x128xf32, #tpu.memory_space<vmem>> -> memref<1x64x128xf32, #tpu.memory_space<vmem>>
        %dma_wait3A_226 = tpu.memref_squeeze %dma_wait3A_225 : memref<1x64x128xf32, #tpu.memory_space<vmem>> -> memref<64x128xf32, #tpu.memory_space<vmem>>
        %dma_wait3A_227 = tpu.memref_slice %arg2[%mul3A_222, %mul3A_0] : memref<160000x256xf32, #tpu.memory_space<hbm>> -> memref<64x128xf32, #tpu.memory_space<hbm>>
        %dma_wait3A_228 = arith.constant 0 : i32
        %dma_wait3A_229 = arith.constant 0 : i32
        %dma_wait3A_230 = tpu.memref_slice %arg6[%dma_wait3A, %dma_wait3A_228, %dma_wait3A_229] : memref<3x64x128xf32, #tpu.memory_space<vmem>> -> memref<1x64x128xf32, #tpu.memory_space<vmem>>
        %dma_wait3A_231 = tpu.memref_squeeze %dma_wait3A_230 : memref<1x64x128xf32, #tpu.memory_space<vmem>> -> memref<64x128xf32, #tpu.memory_space<vmem>>
        %dma_wait3A_232 = tpu.memref_slice %arg2[%mul3A_222, %mul3A_0] : memref<160000x256xf32, #tpu.memory_space<hbm>> -> memref<64x128xf32, #tpu.memory_space<hbm>>
        tpu.wait_dma2 semaphore(%arg9 : memref<!tpu.dma_semaphore, #tpu.memory_space<semaphore_mem>>) src(%dma_wait3A_232 : memref<64x128xf32, #tpu.memory_space<hbm>>) dst(%dma_wait3A_231 : memref<64x128xf32, #tpu.memory_space<vmem>>)
        %run_scoped3A = arith.constant 1 : i32
        "tpu.region"() ({
          %run_scoped3A_245 = tpu.sem_alloc : memref<!tpu.dma_semaphore, #tpu.memory_space<semaphore_mem>>
          %dma_start3A = arith.constant 0 : i32
          %dma_start3A_246 = arith.constant 0 : i32
          %dma_start3A_247 = tpu.memref_slice %arg6[%run_scoped3A, %dma_start3A, %dma_start3A_246] : memref<3x64x128xf32, #tpu.memory_space<vmem>> -> memref<1x64x128xf32, #tpu.memory_space<vmem>>
          %dma_start3A_248 = tpu.memref_squeeze %dma_start3A_247 : memref<1x64x128xf32, #tpu.memory_space<vmem>> -> memref<64x128xf32, #tpu.memory_space<vmem>>
          %dma_start3A_249 = arith.constant 0 : i32
          %dma_start3A_250 = tpu.memref_slice %arg5[%add3A_186, %dma_start3A_249] : memref<160x64xi32, #tpu.memory_space<vmem>> -> memref<1x64xi32, #tpu.memory_space<vmem>>
          %dma_start3A_251 = tpu.memref_squeeze %dma_start3A_250 : memref<1x64xi32, #tpu.memory_space<vmem>> -> memref<64xi32, #tpu.memory_space<vmem>>
          %dma_start3A_252 = arith.constant 0 : i32
          %dma_start3A_253 = arith.constant 0 : i32
          %dma_start3A_254 = tpu.memref_slice %arg7[%dma_start3A_252, %dma_start3A_253] : memref<10000x128xf32, #tpu.memory_space<vmem_shared>> -> memref<10000x128xf32, #tpu.memory_space<vmem_shared>>
          tpu.enqueue_indirect_dma source(%dma_start3A_248 : memref<64x128xf32, #tpu.memory_space<vmem>>) target(%dma_start3A_254 : memref<10000x128xf32, #tpu.memory_space<vmem_shared>>) offsets(%dma_start3A_251 : memref<64xi32, #tpu.memory_space<vmem>>) semaphore(%run_scoped3A_245 : memref<!tpu.dma_semaphore, #tpu.memory_space<semaphore_mem>>) {add = true}
          %dma_wait3A_255 = arith.constant 0 : i32
          %dma_wait3A_256 = arith.constant 0 : i32
          %dma_wait3A_257 = tpu.memref_slice %arg6[%run_scoped3A, %dma_wait3A_255, %dma_wait3A_256] : memref<3x64x128xf32, #tpu.memory_space<vmem>> -> memref<1x64x128xf32, #tpu.memory_space<vmem>>
          %dma_wait3A_258 = tpu.memref_squeeze %dma_wait3A_257 : memref<1x64x128xf32, #tpu.memory_space<vmem>> -> memref<64x128xf32, #tpu.memory_space<vmem>>
          %dma_wait3A_259 = arith.constant 0 : i32
          %dma_wait3A_260 = tpu.memref_slice %arg5[%add3A_186, %dma_wait3A_259] : memref<160x64xi32, #tpu.memory_space<vmem>> -> memref<1x64xi32, #tpu.memory_space<vmem>>
          %dma_wait3A_261 = tpu.memref_squeeze %dma_wait3A_260 : memref<1x64xi32, #tpu.memory_space<vmem>> -> memref<64xi32, #tpu.memory_space<vmem>>
          %dma_wait3A_262 = arith.constant 0 : i32
          %dma_wait3A_263 = arith.constant 0 : i32
          %dma_wait3A_264 = tpu.memref_slice %arg7[%dma_wait3A_262, %dma_wait3A_263] : memref<10000x128xf32, #tpu.memory_space<vmem_shared>> -> memref<10000x128xf32, #tpu.memory_space<vmem_shared>>
          tpu.wait_indirect_dma semaphore(%run_scoped3A_245 : memref<!tpu.dma_semaphore, #tpu.memory_space<semaphore_mem>>) src(%dma_wait3A_258 : memref<64x128xf32, #tpu.memory_space<vmem>>) dst(%dma_wait3A_264 : memref<10000x128xf32, #tpu.memory_space<vmem_shared>>)
          tpu.yield
        }) : () -> ()
        %add3A_233 = arith.constant 3 : i32
        %add3A_234 = arith.addi %add3A_186, %add3A_233 : i32
        %lt3A_235 = arith.constant 160 : i32
        %lt3A_236 = arith.cmpi slt, %add3A_234, %lt3A_235 : i32
        %add3A_237 = arith.constant 3 : i32
        %add3A_238 = arith.addi %add3A_187, %add3A_237 : i32
        %lt3A_239 = arith.constant 2500 : i32
        %lt3A_240 = arith.cmpi slt, %add3A_238, %lt3A_239 : i32
        %and3A_241 = arith.andi %lt3A_236, %lt3A_240 : i1
        %convert_element_type3A_242 = arith.extui %and3A_241 : i1 to i32
        %cond3A_243 = arith.constant 0 : i32
        %cond3A_244 = arith.cmpi ne, %convert_element_type3A_242, %cond3A_243 : i32
        scf.if %cond3A_244 {
          %add3A_245 = arith.constant 3 : i32
          %add3A_246 = arith.addi %add3A_187, %add3A_245 : i32
          %mul3A_247 = arith.constant 64 : i32
          %mul3A_248 = arith.muli %add3A_246, %mul3A_247 : i32
          %dma_start3A = arith.constant 1 : i32
          %dma_start3A_249 = arith.constant 0 : i32
          %dma_start3A_250 = arith.constant 0 : i32
          %dma_start3A_251 = tpu.memref_slice %arg6[%dma_start3A, %dma_start3A_249, %dma_start3A_250] : memref<3x64x128xf32, #tpu.memory_space<vmem>> -> memref<1x64x128xf32, #tpu.memory_space<vmem>>
          %dma_start3A_252 = tpu.memref_squeeze %dma_start3A_251 : memref<1x64x128xf32, #tpu.memory_space<vmem>> -> memref<64x128xf32, #tpu.memory_space<vmem>>
          %dma_start3A_253 = tpu.memref_slice %arg2[%mul3A_248, %mul3A_0] : memref<160000x256xf32, #tpu.memory_space<hbm>> -> memref<64x128xf32, #tpu.memory_space<hbm>>
          %dma_start3A_254 = arith.constant 0 : i32
          %dma_start3A_255 = arith.constant 0 : i32
          %dma_start3A_256 = tpu.memref_slice %arg6[%dma_start3A, %dma_start3A_254, %dma_start3A_255] : memref<3x64x128xf32, #tpu.memory_space<vmem>> -> memref<1x64x128xf32, #tpu.memory_space<vmem>>
          %dma_start3A_257 = tpu.memref_squeeze %dma_start3A_256 : memref<1x64x128xf32, #tpu.memory_space<vmem>> -> memref<64x128xf32, #tpu.memory_space<vmem>>
          %dma_start3A_258 = tpu.memref_slice %arg2[%mul3A_248, %mul3A_0] : memref<160000x256xf32, #tpu.memory_space<hbm>> -> memref<64x128xf32, #tpu.memory_space<hbm>>
          tpu.enqueue_dma source(%dma_start3A_258 : memref<64x128xf32, #tpu.memory_space<hbm>>) target(%dma_start3A_257 : memref<64x128xf32, #tpu.memory_space<vmem>>) target_semaphore(%arg9 : memref<!tpu.dma_semaphore, #tpu.memory_space<semaphore_mem>>)
        } else {
        }
      } else {
      }
      %mul3A_195 = arith.constant 3 : i32
      %mul3A_196 = arith.muli %scan3A_182, %mul3A_195 : i32
      %add3A_197 = arith.constant 1 : i32
      %add3A_198 = arith.addi %mul3A_196, %add3A_197 : i32
      %add3A_199 = arith.addi %mul3A_2, %add3A_198 : i32
      %lt3A_200 = arith.constant 160 : i32
      %lt3A_201 = arith.cmpi slt, %add3A_198, %lt3A_200 : i32
      %lt3A_202 = arith.constant 2500 : i32
      %lt3A_203 = arith.cmpi slt, %add3A_199, %lt3A_202 : i32
      %and3A_204 = arith.andi %lt3A_201, %lt3A_203 : i1
      %convert_element_type3A_205 = arith.extui %and3A_204 : i1 to i32
      %cond3A_206 = arith.constant 0 : i32
      %cond3A_207 = arith.cmpi ne, %convert_element_type3A_205, %cond3A_206 : i32
      scf.if %cond3A_207 {
        %mul3A_221 = arith.constant 64 : i32
        %mul3A_222 = arith.muli %add3A_199, %mul3A_221 : i32
        %dma_wait3A = arith.constant 2 : i32
        %dma_wait3A_223 = arith.constant 0 : i32
        %dma_wait3A_224 = arith.constant 0 : i32
        %dma_wait3A_225 = tpu.memref_slice %arg6[%dma_wait3A, %dma_wait3A_223, %dma_wait3A_224] : memref<3x64x128xf32, #tpu.memory_space<vmem>> -> memref<1x64x128xf32, #tpu.memory_space<vmem>>
        %dma_wait3A_226 = tpu.memref_squeeze %dma_wait3A_225 : memref<1x64x128xf32, #tpu.memory_space<vmem>> -> memref<64x128xf32, #tpu.memory_space<vmem>>
        %dma_wait3A_227 = tpu.memref_slice %arg2[%mul3A_222, %mul3A_0] : memref<160000x256xf32, #tpu.memory_space<hbm>> -> memref<64x128xf32, #tpu.memory_space<hbm>>
        %dma_wait3A_228 = arith.constant 0 : i32
        %dma_wait3A_229 = arith.constant 0 : i32
        %dma_wait3A_230 = tpu.memref_slice %arg6[%dma_wait3A, %dma_wait3A_228, %dma_wait3A_229] : memref<3x64x128xf32, #tpu.memory_space<vmem>> -> memref<1x64x128xf32, #tpu.memory_space<vmem>>
        %dma_wait3A_231 = tpu.memref_squeeze %dma_wait3A_230 : memref<1x64x128xf32, #tpu.memory_space<vmem>> -> memref<64x128xf32, #tpu.memory_space<vmem>>
        %dma_wait3A_232 = tpu.memref_slice %arg2[%mul3A_222, %mul3A_0] : memref<160000x256xf32, #tpu.memory_space<hbm>> -> memref<64x128xf32, #tpu.memory_space<hbm>>
        tpu.wait_dma2 semaphore(%arg10 : memref<!tpu.dma_semaphore, #tpu.memory_space<semaphore_mem>>) src(%dma_wait3A_232 : memref<64x128xf32, #tpu.memory_space<hbm>>) dst(%dma_wait3A_231 : memref<64x128xf32, #tpu.memory_space<vmem>>)
        %run_scoped3A = arith.constant 2 : i32
        "tpu.region"() ({
          %run_scoped3A_245 = tpu.sem_alloc : memref<!tpu.dma_semaphore, #tpu.memory_space<semaphore_mem>>
          %dma_start3A = arith.constant 0 : i32
          %dma_start3A_246 = arith.constant 0 : i32
          %dma_start3A_247 = tpu.memref_slice %arg6[%run_scoped3A, %dma_start3A, %dma_start3A_246] : memref<3x64x128xf32, #tpu.memory_space<vmem>> -> memref<1x64x128xf32, #tpu.memory_space<vmem>>
          %dma_start3A_248 = tpu.memref_squeeze %dma_start3A_247 : memref<1x64x128xf32, #tpu.memory_space<vmem>> -> memref<64x128xf32, #tpu.memory_space<vmem>>
          %dma_start3A_249 = arith.constant 0 : i32
          %dma_start3A_250 = tpu.memref_slice %arg5[%add3A_198, %dma_start3A_249] : memref<160x64xi32, #tpu.memory_space<vmem>> -> memref<1x64xi32, #tpu.memory_space<vmem>>
          %dma_start3A_251 = tpu.memref_squeeze %dma_start3A_250 : memref<1x64xi32, #tpu.memory_space<vmem>> -> memref<64xi32, #tpu.memory_space<vmem>>
          %dma_start3A_252 = arith.constant 0 : i32
          %dma_start3A_253 = arith.constant 0 : i32
          %dma_start3A_254 = tpu.memref_slice %arg7[%dma_start3A_252, %dma_start3A_253] : memref<10000x128xf32, #tpu.memory_space<vmem_shared>> -> memref<10000x128xf32, #tpu.memory_space<vmem_shared>>
          tpu.enqueue_indirect_dma source(%dma_start3A_248 : memref<64x128xf32, #tpu.memory_space<vmem>>) target(%dma_start3A_254 : memref<10000x128xf32, #tpu.memory_space<vmem_shared>>) offsets(%dma_start3A_251 : memref<64xi32, #tpu.memory_space<vmem>>) semaphore(%run_scoped3A_245 : memref<!tpu.dma_semaphore, #tpu.memory_space<semaphore_mem>>) {add = true}
          %dma_wait3A_255 = arith.constant 0 : i32
          %dma_wait3A_256 = arith.constant 0 : i32
          %dma_wait3A_257 = tpu.memref_slice %arg6[%run_scoped3A, %dma_wait3A_255, %dma_wait3A_256] : memref<3x64x128xf32, #tpu.memory_space<vmem>> -> memref<1x64x128xf32, #tpu.memory_space<vmem>>
          %dma_wait3A_258 = tpu.memref_squeeze %dma_wait3A_257 : memref<1x64x128xf32, #tpu.memory_space<vmem>> -> memref<64x128xf32, #tpu.memory_space<vmem>>
          %dma_wait3A_259 = arith.constant 0 : i32
          %dma_wait3A_260 = tpu.memref_slice %arg5[%add3A_198, %dma_wait3A_259] : memref<160x64xi32, #tpu.memory_space<vmem>> -> memref<1x64xi32, #tpu.memory_space<vmem>>
          %dma_wait3A_261 = tpu.memref_squeeze %dma_wait3A_260 : memref<1x64xi32, #tpu.memory_space<vmem>> -> memref<64xi32, #tpu.memory_space<vmem>>
          %dma_wait3A_262 = arith.constant 0 : i32
          %dma_wait3A_263 = arith.constant 0 : i32
          %dma_wait3A_264 = tpu.memref_slice %arg7[%dma_wait3A_262, %dma_wait3A_263] : memref<10000x128xf32, #tpu.memory_space<vmem_shared>> -> memref<10000x128xf32, #tpu.memory_space<vmem_shared>>
          tpu.wait_indirect_dma semaphore(%run_scoped3A_245 : memref<!tpu.dma_semaphore, #tpu.memory_space<semaphore_mem>>) src(%dma_wait3A_258 : memref<64x128xf32, #tpu.memory_space<vmem>>) dst(%dma_wait3A_264 : memref<10000x128xf32, #tpu.memory_space<vmem_shared>>)
          tpu.yield
        }) : () -> ()
        %add3A_233 = arith.constant 3 : i32
        %add3A_234 = arith.addi %add3A_198, %add3A_233 : i32
        %lt3A_235 = arith.constant 160 : i32
        %lt3A_236 = arith.cmpi slt, %add3A_234, %lt3A_235 : i32
        %add3A_237 = arith.constant 3 : i32
        %add3A_238 = arith.addi %add3A_199, %add3A_237 : i32
        %lt3A_239 = arith.constant 2500 : i32
        %lt3A_240 = arith.cmpi slt, %add3A_238, %lt3A_239 : i32
        %and3A_241 = arith.andi %lt3A_236, %lt3A_240 : i1
        %convert_element_type3A_242 = arith.extui %and3A_241 : i1 to i32
        %cond3A_243 = arith.constant 0 : i32
        %cond3A_244 = arith.cmpi ne, %convert_element_type3A_242, %cond3A_243 : i32
        scf.if %cond3A_244 {
          %add3A_245 = arith.constant 3 : i32
          %add3A_246 = arith.addi %add3A_199, %add3A_245 : i32
          %mul3A_247 = arith.constant 64 : i32
          %mul3A_248 = arith.muli %add3A_246, %mul3A_247 : i32
          %dma_start3A = arith.constant 2 : i32
          %dma_start3A_249 = arith.constant 0 : i32
          %dma_start3A_250 = arith.constant 0 : i32
          %dma_start3A_251 = tpu.memref_slice %arg6[%dma_start3A, %dma_start3A_249, %dma_start3A_250] : memref<3x64x128xf32, #tpu.memory_space<vmem>> -> memref<1x64x128xf32, #tpu.memory_space<vmem>>
          %dma_start3A_252 = tpu.memref_squeeze %dma_start3A_251 : memref<1x64x128xf32, #tpu.memory_space<vmem>> -> memref<64x128xf32, #tpu.memory_space<vmem>>
          %dma_start3A_253 = tpu.memref_slice %arg2[%mul3A_248, %mul3A_0] : memref<160000x256xf32, #tpu.memory_space<hbm>> -> memref<64x128xf32, #tpu.memory_space<hbm>>
          %dma_start3A_254 = arith.constant 0 : i32
          %dma_start3A_255 = arith.constant 0 : i32
          %dma_start3A_256 = tpu.memref_slice %arg6[%dma_start3A, %dma_start3A_254, %dma_start3A_255] : memref<3x64x128xf32, #tpu.memory_space<vmem>> -> memref<1x64x128xf32, #tpu.memory_space<vmem>>
          %dma_start3A_257 = tpu.memref_squeeze %dma_start3A_256 : memref<1x64x128xf32, #tpu.memory_space<vmem>> -> memref<64x128xf32, #tpu.memory_space<vmem>>
          %dma_start3A_258 = tpu.memref_slice %arg2[%mul3A_248, %mul3A_0] : memref<160000x256xf32, #tpu.memory_space<hbm>> -> memref<64x128xf32, #tpu.memory_space<hbm>>
          tpu.enqueue_dma source(%dma_start3A_258 : memref<64x128xf32, #tpu.memory_space<hbm>>) target(%dma_start3A_257 : memref<64x128xf32, #tpu.memory_space<vmem>>) target_semaphore(%arg10 : memref<!tpu.dma_semaphore, #tpu.memory_space<semaphore_mem>>)
        } else {
        }
      } else {
      }
      %mul3A_208 = arith.constant 3 : i32
      %mul3A_209 = arith.muli %scan3A_182, %mul3A_208 : i32
      %add3A_210 = arith.constant 2 : i32
      %add3A_211 = arith.addi %mul3A_209, %add3A_210 : i32
      %add3A_212 = arith.addi %mul3A_2, %add3A_211 : i32
      %lt3A_213 = arith.constant 160 : i32
      %lt3A_214 = arith.cmpi slt, %add3A_211, %lt3A_213 : i32
      %lt3A_215 = arith.constant 2500 : i32
      %lt3A_216 = arith.cmpi slt, %add3A_212, %lt3A_215 : i32
      %and3A_217 = arith.andi %lt3A_214, %lt3A_216 : i1
      %convert_element_type3A_218 = arith.extui %and3A_217 : i1 to i32
      %cond3A_219 = arith.constant 0 : i32
      %cond3A_220 = arith.cmpi ne, %convert_element_type3A_218, %cond3A_219 : i32
      scf.if %cond3A_220 {
        %mul3A_221 = arith.constant 64 : i32
        %mul3A_222 = arith.muli %add3A_212, %mul3A_221 : i32
        %dma_wait3A = arith.constant 0 : i32
        %dma_wait3A_223 = arith.constant 0 : i32
        %dma_wait3A_224 = arith.constant 0 : i32
        %dma_wait3A_225 = tpu.memref_slice %arg6[%dma_wait3A, %dma_wait3A_223, %dma_wait3A_224] : memref<3x64x128xf32, #tpu.memory_space<vmem>> -> memref<1x64x128xf32, #tpu.memory_space<vmem>>
        %dma_wait3A_226 = tpu.memref_squeeze %dma_wait3A_225 : memref<1x64x128xf32, #tpu.memory_space<vmem>> -> memref<64x128xf32, #tpu.memory_space<vmem>>
        %dma_wait3A_227 = tpu.memref_slice %arg2[%mul3A_222, %mul3A_0] : memref<160000x256xf32, #tpu.memory_space<hbm>> -> memref<64x128xf32, #tpu.memory_space<hbm>>
        %dma_wait3A_228 = arith.constant 0 : i32
        %dma_wait3A_229 = arith.constant 0 : i32
        %dma_wait3A_230 = tpu.memref_slice %arg6[%dma_wait3A, %dma_wait3A_228, %dma_wait3A_229] : memref<3x64x128xf32, #tpu.memory_space<vmem>> -> memref<1x64x128xf32, #tpu.memory_space<vmem>>
        %dma_wait3A_231 = tpu.memref_squeeze %dma_wait3A_230 : memref<1x64x128xf32, #tpu.memory_space<vmem>> -> memref<64x128xf32, #tpu.memory_space<vmem>>
        %dma_wait3A_232 = tpu.memref_slice %arg2[%mul3A_222, %mul3A_0] : memref<160000x256xf32, #tpu.memory_space<hbm>> -> memref<64x128xf32, #tpu.memory_space<hbm>>
        tpu.wait_dma2 semaphore(%arg8 : memref<!tpu.dma_semaphore, #tpu.memory_space<semaphore_mem>>) src(%dma_wait3A_232 : memref<64x128xf32, #tpu.memory_space<hbm>>) dst(%dma_wait3A_231 : memref<64x128xf32, #tpu.memory_space<vmem>>)
        %run_scoped3A = arith.constant 0 : i32
        "tpu.region"() ({
          %run_scoped3A_245 = tpu.sem_alloc : memref<!tpu.dma_semaphore, #tpu.memory_space<semaphore_mem>>
          %dma_start3A = arith.constant 0 : i32
          %dma_start3A_246 = arith.constant 0 : i32
          %dma_start3A_247 = tpu.memref_slice %arg6[%run_scoped3A, %dma_start3A, %dma_start3A_246] : memref<3x64x128xf32, #tpu.memory_space<vmem>> -> memref<1x64x128xf32, #tpu.memory_space<vmem>>
          %dma_start3A_248 = tpu.memref_squeeze %dma_start3A_247 : memref<1x64x128xf32, #tpu.memory_space<vmem>> -> memref<64x128xf32, #tpu.memory_space<vmem>>
          %dma_start3A_249 = arith.constant 0 : i32
          %dma_start3A_250 = tpu.memref_slice %arg5[%add3A_211, %dma_start3A_249] : memref<160x64xi32, #tpu.memory_space<vmem>> -> memref<1x64xi32, #tpu.memory_space<vmem>>
          %dma_start3A_251 = tpu.memref_squeeze %dma_start3A_250 : memref<1x64xi32, #tpu.memory_space<vmem>> -> memref<64xi32, #tpu.memory_space<vmem>>
          %dma_start3A_252 = arith.constant 0 : i32
          %dma_start3A_253 = arith.constant 0 : i32
          %dma_start3A_254 = tpu.memref_slice %arg7[%dma_start3A_252, %dma_start3A_253] : memref<10000x128xf32, #tpu.memory_space<vmem_shared>> -> memref<10000x128xf32, #tpu.memory_space<vmem_shared>>
          tpu.enqueue_indirect_dma source(%dma_start3A_248 : memref<64x128xf32, #tpu.memory_space<vmem>>) target(%dma_start3A_254 : memref<10000x128xf32, #tpu.memory_space<vmem_shared>>) offsets(%dma_start3A_251 : memref<64xi32, #tpu.memory_space<vmem>>) semaphore(%run_scoped3A_245 : memref<!tpu.dma_semaphore, #tpu.memory_space<semaphore_mem>>) {add = true}
          %dma_wait3A_255 = arith.constant 0 : i32
          %dma_wait3A_256 = arith.constant 0 : i32
          %dma_wait3A_257 = tpu.memref_slice %arg6[%run_scoped3A, %dma_wait3A_255, %dma_wait3A_256] : memref<3x64x128xf32, #tpu.memory_space<vmem>> -> memref<1x64x128xf32, #tpu.memory_space<vmem>>
          %dma_wait3A_258 = tpu.memref_squeeze %dma_wait3A_257 : memref<1x64x128xf32, #tpu.memory_space<vmem>> -> memref<64x128xf32, #tpu.memory_space<vmem>>
          %dma_wait3A_259 = arith.constant 0 : i32
          %dma_wait3A_260 = tpu.memref_slice %arg5[%add3A_211, %dma_wait3A_259] : memref<160x64xi32, #tpu.memory_space<vmem>> -> memref<1x64xi32, #tpu.memory_space<vmem>>
          %dma_wait3A_261 = tpu.memref_squeeze %dma_wait3A_260 : memref<1x64xi32, #tpu.memory_space<vmem>> -> memref<64xi32, #tpu.memory_space<vmem>>
          %dma_wait3A_262 = arith.constant 0 : i32
          %dma_wait3A_263 = arith.constant 0 : i32
          %dma_wait3A_264 = tpu.memref_slice %arg7[%dma_wait3A_262, %dma_wait3A_263] : memref<10000x128xf32, #tpu.memory_space<vmem_shared>> -> memref<10000x128xf32, #tpu.memory_space<vmem_shared>>
          tpu.wait_indirect_dma semaphore(%run_scoped3A_245 : memref<!tpu.dma_semaphore, #tpu.memory_space<semaphore_mem>>) src(%dma_wait3A_258 : memref<64x128xf32, #tpu.memory_space<vmem>>) dst(%dma_wait3A_264 : memref<10000x128xf32, #tpu.memory_space<vmem_shared>>)
          tpu.yield
        }) : () -> ()
        %add3A_233 = arith.constant 3 : i32
        %add3A_234 = arith.addi %add3A_211, %add3A_233 : i32
        %lt3A_235 = arith.constant 160 : i32
        %lt3A_236 = arith.cmpi slt, %add3A_234, %lt3A_235 : i32
        %add3A_237 = arith.constant 3 : i32
        %add3A_238 = arith.addi %add3A_212, %add3A_237 : i32
        %lt3A_239 = arith.constant 2500 : i32
        %lt3A_240 = arith.cmpi slt, %add3A_238, %lt3A_239 : i32
        %and3A_241 = arith.andi %lt3A_236, %lt3A_240 : i1
        %convert_element_type3A_242 = arith.extui %and3A_241 : i1 to i32
        %cond3A_243 = arith.constant 0 : i32
        %cond3A_244 = arith.cmpi ne, %convert_element_type3A_242, %cond3A_243 : i32
        scf.if %cond3A_244 {
          %add3A_245 = arith.constant 3 : i32
          %add3A_246 = arith.addi %add3A_212, %add3A_245 : i32
          %mul3A_247 = arith.constant 64 : i32
          %mul3A_248 = arith.muli %add3A_246, %mul3A_247 : i32
          %dma_start3A = arith.constant 0 : i32
          %dma_start3A_249 = arith.constant 0 : i32
          %dma_start3A_250 = arith.constant 0 : i32
          %dma_start3A_251 = tpu.memref_slice %arg6[%dma_start3A, %dma_start3A_249, %dma_start3A_250] : memref<3x64x128xf32, #tpu.memory_space<vmem>> -> memref<1x64x128xf32, #tpu.memory_space<vmem>>
          %dma_start3A_252 = tpu.memref_squeeze %dma_start3A_251 : memref<1x64x128xf32, #tpu.memory_space<vmem>> -> memref<64x128xf32, #tpu.memory_space<vmem>>
          %dma_start3A_253 = tpu.memref_slice %arg2[%mul3A_248, %mul3A_0] : memref<160000x256xf32, #tpu.memory_space<hbm>> -> memref<64x128xf32, #tpu.memory_space<hbm>>
          %dma_start3A_254 = arith.constant 0 : i32
          %dma_start3A_255 = arith.constant 0 : i32
          %dma_start3A_256 = tpu.memref_slice %arg6[%dma_start3A, %dma_start3A_254, %dma_start3A_255] : memref<3x64x128xf32, #tpu.memory_space<vmem>> -> memref<1x64x128xf32, #tpu.memory_space<vmem>>
          %dma_start3A_257 = tpu.memref_squeeze %dma_start3A_256 : memref<1x64x128xf32, #tpu.memory_space<vmem>> -> memref<64x128xf32, #tpu.memory_space<vmem>>
          %dma_start3A_258 = tpu.memref_slice %arg2[%mul3A_248, %mul3A_0] : memref<160000x256xf32, #tpu.memory_space<hbm>> -> memref<64x128xf32, #tpu.memory_space<hbm>>
          tpu.enqueue_dma source(%dma_start3A_258 : memref<64x128xf32, #tpu.memory_space<hbm>>) target(%dma_start3A_257 : memref<64x128xf32, #tpu.memory_space<vmem>>) target_semaphore(%arg8 : memref<!tpu.dma_semaphore, #tpu.memory_space<semaphore_mem>>)
        } else {
        }
      } else {
      }
    }
    %scan3A_105 = arith.constant 54 : i32
    %barrier3A_106 = arith.constant 0 : index
    tpu.barrier barrier_id(%barrier3A_106)
    %add3A_107 = arith.constant 0 : i32
    %add3A_108 = arith.addi %arg1, %add3A_107 : i32
    %lt3A_109 = arith.constant 156 : i32
    %lt3A_110 = arith.cmpi slt, %add3A_108, %lt3A_109 : i32
    %convert_element_type3A_111 = arith.extui %lt3A_110 : i1 to i32
    %cond3A_112 = arith.constant 0 : i32
    %cond3A_113 = arith.cmpi ne, %convert_element_type3A_111, %cond3A_112 : i32
    scf.if %cond3A_113 {
      %mul3A_182 = arith.constant 64 : i32
      %mul3A_183 = arith.muli %add3A_108, %mul3A_182 : i32
      %mul3A_184 = arith.constant 64 : i32
      %mul3A_185 = arith.muli %add3A_108, %mul3A_184 : i32
      "tpu.region"() ({
        %run_scoped3A = tpu.sem_alloc : memref<!tpu.dma_semaphore, #tpu.memory_space<semaphore_mem>>
        %dma_start3A = tpu.memref_slice %arg4[%mul3A_185, %mul3A_0] : memref<10000x256xf32, #tpu.memory_space<hbm>> -> memref<64x128xf32, #tpu.memory_space<hbm>>
        %dma_start3A_186 = arith.constant 0 : i32
        %dma_start3A_187 = tpu.memref_slice %arg7[%mul3A_183, %dma_start3A_186] : memref<10000x128xf32, #tpu.memory_space<vmem_shared>> -> memref<64x128xf32, #tpu.memory_space<vmem_shared>>
        tpu.enqueue_dma source(%dma_start3A_187 : memref<64x128xf32, #tpu.memory_space<vmem_shared>>) target(%dma_start3A : memref<64x128xf32, #tpu.memory_space<hbm>>) target_semaphore(%run_scoped3A : memref<!tpu.dma_semaphore, #tpu.memory_space<semaphore_mem>>)
        %dma_wait3A = tpu.memref_slice %arg4[%mul3A_185, %mul3A_0] : memref<10000x256xf32, #tpu.memory_space<hbm>> -> memref<64x128xf32, #tpu.memory_space<hbm>>
        %dma_wait3A_188 = arith.constant 0 : i32
        %dma_wait3A_189 = tpu.memref_slice %arg7[%mul3A_183, %dma_wait3A_188] : memref<10000x128xf32, #tpu.memory_space<vmem_shared>> -> memref<64x128xf32, #tpu.memory_space<vmem_shared>>
        tpu.wait_dma2 semaphore(%run_scoped3A : memref<!tpu.dma_semaphore, #tpu.memory_space<semaphore_mem>>) src(%dma_wait3A_189 : memref<64x128xf32, #tpu.memory_space<vmem_shared>>) dst(%dma_wait3A : memref<64x128xf32, #tpu.memory_space<hbm>>)
        tpu.yield
      }) : () -> ()
    } else {
    }
    %add3A_114 = arith.constant 16 : i32
    %add3A_115 = arith.addi %arg1, %add3A_114 : i32
    %lt3A_116 = arith.constant 156 : i32
    %lt3A_117 = arith.cmpi slt, %add3A_115, %lt3A_116 : i32
    %convert_element_type3A_118 = arith.extui %lt3A_117 : i1 to i32
    %cond3A_119 = arith.constant 0 : i32
    %cond3A_120 = arith.cmpi ne, %convert_element_type3A_118, %cond3A_119 : i32
    scf.if %cond3A_120 {
      %mul3A_182 = arith.constant 64 : i32
      %mul3A_183 = arith.muli %add3A_115, %mul3A_182 : i32
      %mul3A_184 = arith.constant 64 : i32
      %mul3A_185 = arith.muli %add3A_115, %mul3A_184 : i32
      "tpu.region"() ({
        %run_scoped3A = tpu.sem_alloc : memref<!tpu.dma_semaphore, #tpu.memory_space<semaphore_mem>>
        %dma_start3A = tpu.memref_slice %arg4[%mul3A_185, %mul3A_0] : memref<10000x256xf32, #tpu.memory_space<hbm>> -> memref<64x128xf32, #tpu.memory_space<hbm>>
        %dma_start3A_186 = arith.constant 0 : i32
        %dma_start3A_187 = tpu.memref_slice %arg7[%mul3A_183, %dma_start3A_186] : memref<10000x128xf32, #tpu.memory_space<vmem_shared>> -> memref<64x128xf32, #tpu.memory_space<vmem_shared>>
        tpu.enqueue_dma source(%dma_start3A_187 : memref<64x128xf32, #tpu.memory_space<vmem_shared>>) target(%dma_start3A : memref<64x128xf32, #tpu.memory_space<hbm>>) target_semaphore(%run_scoped3A : memref<!tpu.dma_semaphore, #tpu.memory_space<semaphore_mem>>)
        %dma_wait3A = tpu.memref_slice %arg4[%mul3A_185, %mul3A_0] : memref<10000x256xf32, #tpu.memory_space<hbm>> -> memref<64x128xf32, #tpu.memory_space<hbm>>
        %dma_wait3A_188 = arith.constant 0 : i32
        %dma_wait3A_189 = tpu.memref_slice %arg7[%mul3A_183, %dma_wait3A_188] : memref<10000x128xf32, #tpu.memory_space<vmem_shared>> -> memref<64x128xf32, #tpu.memory_space<vmem_shared>>
        tpu.wait_dma2 semaphore(%run_scoped3A : memref<!tpu.dma_semaphore, #tpu.memory_space<semaphore_mem>>) src(%dma_wait3A_189 : memref<64x128xf32, #tpu.memory_space<vmem_shared>>) dst(%dma_wait3A : memref<64x128xf32, #tpu.memory_space<hbm>>)
        tpu.yield
      }) : () -> ()
    } else {
    }
    %add3A_121 = arith.constant 32 : i32
    %add3A_122 = arith.addi %arg1, %add3A_121 : i32
    %lt3A_123 = arith.constant 156 : i32
    %lt3A_124 = arith.cmpi slt, %add3A_122, %lt3A_123 : i32
    %convert_element_type3A_125 = arith.extui %lt3A_124 : i1 to i32
    %cond3A_126 = arith.constant 0 : i32
    %cond3A_127 = arith.cmpi ne, %convert_element_type3A_125, %cond3A_126 : i32
    scf.if %cond3A_127 {
      %mul3A_182 = arith.constant 64 : i32
      %mul3A_183 = arith.muli %add3A_122, %mul3A_182 : i32
      %mul3A_184 = arith.constant 64 : i32
      %mul3A_185 = arith.muli %add3A_122, %mul3A_184 : i32
      "tpu.region"() ({
        %run_scoped3A = tpu.sem_alloc : memref<!tpu.dma_semaphore, #tpu.memory_space<semaphore_mem>>
        %dma_start3A = tpu.memref_slice %arg4[%mul3A_185, %mul3A_0] : memref<10000x256xf32, #tpu.memory_space<hbm>> -> memref<64x128xf32, #tpu.memory_space<hbm>>
        %dma_start3A_186 = arith.constant 0 : i32
        %dma_start3A_187 = tpu.memref_slice %arg7[%mul3A_183, %dma_start3A_186] : memref<10000x128xf32, #tpu.memory_space<vmem_shared>> -> memref<64x128xf32, #tpu.memory_space<vmem_shared>>
        tpu.enqueue_dma source(%dma_start3A_187 : memref<64x128xf32, #tpu.memory_space<vmem_shared>>) target(%dma_start3A : memref<64x128xf32, #tpu.memory_space<hbm>>) target_semaphore(%run_scoped3A : memref<!tpu.dma_semaphore, #tpu.memory_space<semaphore_mem>>)
        %dma_wait3A = tpu.memref_slice %arg4[%mul3A_185, %mul3A_0] : memref<10000x256xf32, #tpu.memory_space<hbm>> -> memref<64x128xf32, #tpu.memory_space<hbm>>
        %dma_wait3A_188 = arith.constant 0 : i32
        %dma_wait3A_189 = tpu.memref_slice %arg7[%mul3A_183, %dma_wait3A_188] : memref<10000x128xf32, #tpu.memory_space<vmem_shared>> -> memref<64x128xf32, #tpu.memory_space<vmem_shared>>
        tpu.wait_dma2 semaphore(%run_scoped3A : memref<!tpu.dma_semaphore, #tpu.memory_space<semaphore_mem>>) src(%dma_wait3A_189 : memref<64x128xf32, #tpu.memory_space<vmem_shared>>) dst(%dma_wait3A : memref<64x128xf32, #tpu.memory_space<hbm>>)
        tpu.yield
      }) : () -> ()
    } else {
    }
    %add3A_128 = arith.constant 48 : i32
    %add3A_129 = arith.addi %arg1, %add3A_128 : i32
    %lt3A_130 = arith.constant 156 : i32
    %lt3A_131 = arith.cmpi slt, %add3A_129, %lt3A_130 : i32
    %convert_element_type3A_132 = arith.extui %lt3A_131 : i1 to i32
    %cond3A_133 = arith.constant 0 : i32
    %cond3A_134 = arith.cmpi ne, %convert_element_type3A_132, %cond3A_133 : i32
    scf.if %cond3A_134 {
      %mul3A_182 = arith.constant 64 : i32
      %mul3A_183 = arith.muli %add3A_129, %mul3A_182 : i32
      %mul3A_184 = arith.constant 64 : i32
      %mul3A_185 = arith.muli %add3A_129, %mul3A_184 : i32
      "tpu.region"() ({
        %run_scoped3A = tpu.sem_alloc : memref<!tpu.dma_semaphore, #tpu.memory_space<semaphore_mem>>
        %dma_start3A = tpu.memref_slice %arg4[%mul3A_185, %mul3A_0] : memref<10000x256xf32, #tpu.memory_space<hbm>> -> memref<64x128xf32, #tpu.memory_space<hbm>>
        %dma_start3A_186 = arith.constant 0 : i32
        %dma_start3A_187 = tpu.memref_slice %arg7[%mul3A_183, %dma_start3A_186] : memref<10000x128xf32, #tpu.memory_space<vmem_shared>> -> memref<64x128xf32, #tpu.memory_space<vmem_shared>>
        tpu.enqueue_dma source(%dma_start3A_187 : memref<64x128xf32, #tpu.memory_space<vmem_shared>>) target(%dma_start3A : memref<64x128xf32, #tpu.memory_space<hbm>>) target_semaphore(%run_scoped3A : memref<!tpu.dma_semaphore, #tpu.memory_space<semaphore_mem>>)
        %dma_wait3A = tpu.memref_slice %arg4[%mul3A_185, %mul3A_0] : memref<10000x256xf32, #tpu.memory_space<hbm>> -> memref<64x128xf32, #tpu.memory_space<hbm>>
        %dma_wait3A_188 = arith.constant 0 : i32
        %dma_wait3A_189 = tpu.memref_slice %arg7[%mul3A_183, %dma_wait3A_188] : memref<10000x128xf32, #tpu.memory_space<vmem_shared>> -> memref<64x128xf32, #tpu.memory_space<vmem_shared>>
        tpu.wait_dma2 semaphore(%run_scoped3A : memref<!tpu.dma_semaphore, #tpu.memory_space<semaphore_mem>>) src(%dma_wait3A_189 : memref<64x128xf32, #tpu.memory_space<vmem_shared>>) dst(%dma_wait3A : memref<64x128xf32, #tpu.memory_space<hbm>>)
        tpu.yield
      }) : () -> ()
    } else {
    }
    %add3A_135 = arith.constant 64 : i32
    %add3A_136 = arith.addi %arg1, %add3A_135 : i32
    %lt3A_137 = arith.constant 156 : i32
    %lt3A_138 = arith.cmpi slt, %add3A_136, %lt3A_137 : i32
    %convert_element_type3A_139 = arith.extui %lt3A_138 : i1 to i32
    %cond3A_140 = arith.constant 0 : i32
    %cond3A_141 = arith.cmpi ne, %convert_element_type3A_139, %cond3A_140 : i32
    scf.if %cond3A_141 {
      %mul3A_182 = arith.constant 64 : i32
      %mul3A_183 = arith.muli %add3A_136, %mul3A_182 : i32
      %mul3A_184 = arith.constant 64 : i32
      %mul3A_185 = arith.muli %add3A_136, %mul3A_184 : i32
      "tpu.region"() ({
        %run_scoped3A = tpu.sem_alloc : memref<!tpu.dma_semaphore, #tpu.memory_space<semaphore_mem>>
        %dma_start3A = tpu.memref_slice %arg4[%mul3A_185, %mul3A_0] : memref<10000x256xf32, #tpu.memory_space<hbm>> -> memref<64x128xf32, #tpu.memory_space<hbm>>
        %dma_start3A_186 = arith.constant 0 : i32
        %dma_start3A_187 = tpu.memref_slice %arg7[%mul3A_183, %dma_start3A_186] : memref<10000x128xf32, #tpu.memory_space<vmem_shared>> -> memref<64x128xf32, #tpu.memory_space<vmem_shared>>
        tpu.enqueue_dma source(%dma_start3A_187 : memref<64x128xf32, #tpu.memory_space<vmem_shared>>) target(%dma_start3A : memref<64x128xf32, #tpu.memory_space<hbm>>) target_semaphore(%run_scoped3A : memref<!tpu.dma_semaphore, #tpu.memory_space<semaphore_mem>>)
        %dma_wait3A = tpu.memref_slice %arg4[%mul3A_185, %mul3A_0] : memref<10000x256xf32, #tpu.memory_space<hbm>> -> memref<64x128xf32, #tpu.memory_space<hbm>>
        %dma_wait3A_188 = arith.constant 0 : i32
        %dma_wait3A_189 = tpu.memref_slice %arg7[%mul3A_183, %dma_wait3A_188] : memref<10000x128xf32, #tpu.memory_space<vmem_shared>> -> memref<64x128xf32, #tpu.memory_space<vmem_shared>>
        tpu.wait_dma2 semaphore(%run_scoped3A : memref<!tpu.dma_semaphore, #tpu.memory_space<semaphore_mem>>) src(%dma_wait3A_189 : memref<64x128xf32, #tpu.memory_space<vmem_shared>>) dst(%dma_wait3A : memref<64x128xf32, #tpu.memory_space<hbm>>)
        tpu.yield
      }) : () -> ()
    } else {
    }
    %add3A_142 = arith.constant 80 : i32
    %add3A_143 = arith.addi %arg1, %add3A_142 : i32
    %lt3A_144 = arith.constant 156 : i32
    %lt3A_145 = arith.cmpi slt, %add3A_143, %lt3A_144 : i32
    %convert_element_type3A_146 = arith.extui %lt3A_145 : i1 to i32
    %cond3A_147 = arith.constant 0 : i32
    %cond3A_148 = arith.cmpi ne, %convert_element_type3A_146, %cond3A_147 : i32
    scf.if %cond3A_148 {
      %mul3A_182 = arith.constant 64 : i32
      %mul3A_183 = arith.muli %add3A_143, %mul3A_182 : i32
      %mul3A_184 = arith.constant 64 : i32
      %mul3A_185 = arith.muli %add3A_143, %mul3A_184 : i32
      "tpu.region"() ({
        %run_scoped3A = tpu.sem_alloc : memref<!tpu.dma_semaphore, #tpu.memory_space<semaphore_mem>>
        %dma_start3A = tpu.memref_slice %arg4[%mul3A_185, %mul3A_0] : memref<10000x256xf32, #tpu.memory_space<hbm>> -> memref<64x128xf32, #tpu.memory_space<hbm>>
        %dma_start3A_186 = arith.constant 0 : i32
        %dma_start3A_187 = tpu.memref_slice %arg7[%mul3A_183, %dma_start3A_186] : memref<10000x128xf32, #tpu.memory_space<vmem_shared>> -> memref<64x128xf32, #tpu.memory_space<vmem_shared>>
        tpu.enqueue_dma source(%dma_start3A_187 : memref<64x128xf32, #tpu.memory_space<vmem_shared>>) target(%dma_start3A : memref<64x128xf32, #tpu.memory_space<hbm>>) target_semaphore(%run_scoped3A : memref<!tpu.dma_semaphore, #tpu.memory_space<semaphore_mem>>)
        %dma_wait3A = tpu.memref_slice %arg4[%mul3A_185, %mul3A_0] : memref<10000x256xf32, #tpu.memory_space<hbm>> -> memref<64x128xf32, #tpu.memory_space<hbm>>
        %dma_wait3A_188 = arith.constant 0 : i32
        %dma_wait3A_189 = tpu.memref_slice %arg7[%mul3A_183, %dma_wait3A_188] : memref<10000x128xf32, #tpu.memory_space<vmem_shared>> -> memref<64x128xf32, #tpu.memory_space<vmem_shared>>
        tpu.wait_dma2 semaphore(%run_scoped3A : memref<!tpu.dma_semaphore, #tpu.memory_space<semaphore_mem>>) src(%dma_wait3A_189 : memref<64x128xf32, #tpu.memory_space<vmem_shared>>) dst(%dma_wait3A : memref<64x128xf32, #tpu.memory_space<hbm>>)
        tpu.yield
      }) : () -> ()
    } else {
    }
    %add3A_149 = arith.constant 96 : i32
    %add3A_150 = arith.addi %arg1, %add3A_149 : i32
    %lt3A_151 = arith.constant 156 : i32
    %lt3A_152 = arith.cmpi slt, %add3A_150, %lt3A_151 : i32
    %convert_element_type3A_153 = arith.extui %lt3A_152 : i1 to i32
    %cond3A_154 = arith.constant 0 : i32
    %cond3A_155 = arith.cmpi ne, %convert_element_type3A_153, %cond3A_154 : i32
    scf.if %cond3A_155 {
      %mul3A_182 = arith.constant 64 : i32
      %mul3A_183 = arith.muli %add3A_150, %mul3A_182 : i32
      %mul3A_184 = arith.constant 64 : i32
      %mul3A_185 = arith.muli %add3A_150, %mul3A_184 : i32
      "tpu.region"() ({
        %run_scoped3A = tpu.sem_alloc : memref<!tpu.dma_semaphore, #tpu.memory_space<semaphore_mem>>
        %dma_start3A = tpu.memref_slice %arg4[%mul3A_185, %mul3A_0] : memref<10000x256xf32, #tpu.memory_space<hbm>> -> memref<64x128xf32, #tpu.memory_space<hbm>>
        %dma_start3A_186 = arith.constant 0 : i32
        %dma_start3A_187 = tpu.memref_slice %arg7[%mul3A_183, %dma_start3A_186] : memref<10000x128xf32, #tpu.memory_space<vmem_shared>> -> memref<64x128xf32, #tpu.memory_space<vmem_shared>>
        tpu.enqueue_dma source(%dma_start3A_187 : memref<64x128xf32, #tpu.memory_space<vmem_shared>>) target(%dma_start3A : memref<64x128xf32, #tpu.memory_space<hbm>>) target_semaphore(%run_scoped3A : memref<!tpu.dma_semaphore, #tpu.memory_space<semaphore_mem>>)
        %dma_wait3A = tpu.memref_slice %arg4[%mul3A_185, %mul3A_0] : memref<10000x256xf32, #tpu.memory_space<hbm>> -> memref<64x128xf32, #tpu.memory_space<hbm>>
        %dma_wait3A_188 = arith.constant 0 : i32
        %dma_wait3A_189 = tpu.memref_slice %arg7[%mul3A_183, %dma_wait3A_188] : memref<10000x128xf32, #tpu.memory_space<vmem_shared>> -> memref<64x128xf32, #tpu.memory_space<vmem_shared>>
        tpu.wait_dma2 semaphore(%run_scoped3A : memref<!tpu.dma_semaphore, #tpu.memory_space<semaphore_mem>>) src(%dma_wait3A_189 : memref<64x128xf32, #tpu.memory_space<vmem_shared>>) dst(%dma_wait3A : memref<64x128xf32, #tpu.memory_space<hbm>>)
        tpu.yield
      }) : () -> ()
    } else {
    }
    %add3A_156 = arith.constant 112 : i32
    %add3A_157 = arith.addi %arg1, %add3A_156 : i32
    %lt3A_158 = arith.constant 156 : i32
    %lt3A_159 = arith.cmpi slt, %add3A_157, %lt3A_158 : i32
    %convert_element_type3A_160 = arith.extui %lt3A_159 : i1 to i32
    %cond3A_161 = arith.constant 0 : i32
    %cond3A_162 = arith.cmpi ne, %convert_element_type3A_160, %cond3A_161 : i32
    scf.if %cond3A_162 {
      %mul3A_182 = arith.constant 64 : i32
      %mul3A_183 = arith.muli %add3A_157, %mul3A_182 : i32
      %mul3A_184 = arith.constant 64 : i32
      %mul3A_185 = arith.muli %add3A_157, %mul3A_184 : i32
      "tpu.region"() ({
        %run_scoped3A = tpu.sem_alloc : memref<!tpu.dma_semaphore, #tpu.memory_space<semaphore_mem>>
        %dma_start3A = tpu.memref_slice %arg4[%mul3A_185, %mul3A_0] : memref<10000x256xf32, #tpu.memory_space<hbm>> -> memref<64x128xf32, #tpu.memory_space<hbm>>
        %dma_start3A_186 = arith.constant 0 : i32
        %dma_start3A_187 = tpu.memref_slice %arg7[%mul3A_183, %dma_start3A_186] : memref<10000x128xf32, #tpu.memory_space<vmem_shared>> -> memref<64x128xf32, #tpu.memory_space<vmem_shared>>
        tpu.enqueue_dma source(%dma_start3A_187 : memref<64x128xf32, #tpu.memory_space<vmem_shared>>) target(%dma_start3A : memref<64x128xf32, #tpu.memory_space<hbm>>) target_semaphore(%run_scoped3A : memref<!tpu.dma_semaphore, #tpu.memory_space<semaphore_mem>>)
        %dma_wait3A = tpu.memref_slice %arg4[%mul3A_185, %mul3A_0] : memref<10000x256xf32, #tpu.memory_space<hbm>> -> memref<64x128xf32, #tpu.memory_space<hbm>>
        %dma_wait3A_188 = arith.constant 0 : i32
        %dma_wait3A_189 = tpu.memref_slice %arg7[%mul3A_183, %dma_wait3A_188] : memref<10000x128xf32, #tpu.memory_space<vmem_shared>> -> memref<64x128xf32, #tpu.memory_space<vmem_shared>>
        tpu.wait_dma2 semaphore(%run_scoped3A : memref<!tpu.dma_semaphore, #tpu.memory_space<semaphore_mem>>) src(%dma_wait3A_189 : memref<64x128xf32, #tpu.memory_space<vmem_shared>>) dst(%dma_wait3A : memref<64x128xf32, #tpu.memory_space<hbm>>)
        tpu.yield
      }) : () -> ()
    } else {
    }
    %add3A_163 = arith.constant 128 : i32
    %add3A_164 = arith.addi %arg1, %add3A_163 : i32
    %lt3A_165 = arith.constant 156 : i32
    %lt3A_166 = arith.cmpi slt, %add3A_164, %lt3A_165 : i32
    %convert_element_type3A_167 = arith.extui %lt3A_166 : i1 to i32
    %cond3A_168 = arith.constant 0 : i32
    %cond3A_169 = arith.cmpi ne, %convert_element_type3A_167, %cond3A_168 : i32
    scf.if %cond3A_169 {
      %mul3A_182 = arith.constant 64 : i32
      %mul3A_183 = arith.muli %add3A_164, %mul3A_182 : i32
      %mul3A_184 = arith.constant 64 : i32
      %mul3A_185 = arith.muli %add3A_164, %mul3A_184 : i32
      "tpu.region"() ({
        %run_scoped3A = tpu.sem_alloc : memref<!tpu.dma_semaphore, #tpu.memory_space<semaphore_mem>>
        %dma_start3A = tpu.memref_slice %arg4[%mul3A_185, %mul3A_0] : memref<10000x256xf32, #tpu.memory_space<hbm>> -> memref<64x128xf32, #tpu.memory_space<hbm>>
        %dma_start3A_186 = arith.constant 0 : i32
        %dma_start3A_187 = tpu.memref_slice %arg7[%mul3A_183, %dma_start3A_186] : memref<10000x128xf32, #tpu.memory_space<vmem_shared>> -> memref<64x128xf32, #tpu.memory_space<vmem_shared>>
        tpu.enqueue_dma source(%dma_start3A_187 : memref<64x128xf32, #tpu.memory_space<vmem_shared>>) target(%dma_start3A : memref<64x128xf32, #tpu.memory_space<hbm>>) target_semaphore(%run_scoped3A : memref<!tpu.dma_semaphore, #tpu.memory_space<semaphore_mem>>)
        %dma_wait3A = tpu.memref_slice %arg4[%mul3A_185, %mul3A_0] : memref<10000x256xf32, #tpu.memory_space<hbm>> -> memref<64x128xf32, #tpu.memory_space<hbm>>
        %dma_wait3A_188 = arith.constant 0 : i32
        %dma_wait3A_189 = tpu.memref_slice %arg7[%mul3A_183, %dma_wait3A_188] : memref<10000x128xf32, #tpu.memory_space<vmem_shared>> -> memref<64x128xf32, #tpu.memory_space<vmem_shared>>
        tpu.wait_dma2 semaphore(%run_scoped3A : memref<!tpu.dma_semaphore, #tpu.memory_space<semaphore_mem>>) src(%dma_wait3A_189 : memref<64x128xf32, #tpu.memory_space<vmem_shared>>) dst(%dma_wait3A : memref<64x128xf32, #tpu.memory_space<hbm>>)
        tpu.yield
      }) : () -> ()
    } else {
    }
    %add3A_170 = arith.constant 144 : i32
    %add3A_171 = arith.addi %arg1, %add3A_170 : i32
    %lt3A_172 = arith.constant 156 : i32
    %lt3A_173 = arith.cmpi slt, %add3A_171, %lt3A_172 : i32
    %convert_element_type3A_174 = arith.extui %lt3A_173 : i1 to i32
    %cond3A_175 = arith.constant 0 : i32
    %cond3A_176 = arith.cmpi ne, %convert_element_type3A_174, %cond3A_175 : i32
    scf.if %cond3A_176 {
      %mul3A_182 = arith.constant 64 : i32
      %mul3A_183 = arith.muli %add3A_171, %mul3A_182 : i32
      %mul3A_184 = arith.constant 64 : i32
      %mul3A_185 = arith.muli %add3A_171, %mul3A_184 : i32
      "tpu.region"() ({
        %run_scoped3A = tpu.sem_alloc : memref<!tpu.dma_semaphore, #tpu.memory_space<semaphore_mem>>
        %dma_start3A = tpu.memref_slice %arg4[%mul3A_185, %mul3A_0] : memref<10000x256xf32, #tpu.memory_space<hbm>> -> memref<64x128xf32, #tpu.memory_space<hbm>>
        %dma_start3A_186 = arith.constant 0 : i32
        %dma_start3A_187 = tpu.memref_slice %arg7[%mul3A_183, %dma_start3A_186] : memref<10000x128xf32, #tpu.memory_space<vmem_shared>> -> memref<64x128xf32, #tpu.memory_space<vmem_shared>>
        tpu.enqueue_dma source(%dma_start3A_187 : memref<64x128xf32, #tpu.memory_space<vmem_shared>>) target(%dma_start3A : memref<64x128xf32, #tpu.memory_space<hbm>>) target_semaphore(%run_scoped3A : memref<!tpu.dma_semaphore, #tpu.memory_space<semaphore_mem>>)
        %dma_wait3A = tpu.memref_slice %arg4[%mul3A_185, %mul3A_0] : memref<10000x256xf32, #tpu.memory_space<hbm>> -> memref<64x128xf32, #tpu.memory_space<hbm>>
        %dma_wait3A_188 = arith.constant 0 : i32
        %dma_wait3A_189 = tpu.memref_slice %arg7[%mul3A_183, %dma_wait3A_188] : memref<10000x128xf32, #tpu.memory_space<vmem_shared>> -> memref<64x128xf32, #tpu.memory_space<vmem_shared>>
        tpu.wait_dma2 semaphore(%run_scoped3A : memref<!tpu.dma_semaphore, #tpu.memory_space<semaphore_mem>>) src(%dma_wait3A_189 : memref<64x128xf32, #tpu.memory_space<vmem_shared>>) dst(%dma_wait3A : memref<64x128xf32, #tpu.memory_space<hbm>>)
        tpu.yield
      }) : () -> ()
    } else {
    }
    %eq3A_177 = arith.constant 0 : i32
    %eq3A_178 = arith.cmpi eq, %arg1, %eq3A_177 : i32
    %convert_element_type3A_179 = arith.extui %eq3A_178 : i1 to i32
    %cond3A_180 = arith.constant 0 : i32
    %cond3A_181 = arith.cmpi ne, %convert_element_type3A_179, %cond3A_180 : i32
    scf.if %cond3A_181 {
      "tpu.region"() ({
        %run_scoped3A = tpu.sem_alloc : memref<!tpu.dma_semaphore, #tpu.memory_space<semaphore_mem>>
        %dma_start3A = arith.constant 9984 : i32
        %dma_start3A_182 = tpu.memref_slice %arg4[%dma_start3A, %mul3A_0] : memref<10000x256xf32, #tpu.memory_space<hbm>> -> memref<16x128xf32, #tpu.memory_space<hbm>>
        %dma_start3A_183 = arith.constant 9984 : i32
        %dma_start3A_184 = arith.constant 0 : i32
        %dma_start3A_185 = tpu.memref_slice %arg7[%dma_start3A_183, %dma_start3A_184] : memref<10000x128xf32, #tpu.memory_space<vmem_shared>> -> memref<16x128xf32, #tpu.memory_space<vmem_shared>>
        tpu.enqueue_dma source(%dma_start3A_185 : memref<16x128xf32, #tpu.memory_space<vmem_shared>>) target(%dma_start3A_182 : memref<16x128xf32, #tpu.memory_space<hbm>>) target_semaphore(%run_scoped3A : memref<!tpu.dma_semaphore, #tpu.memory_space<semaphore_mem>>)
        %dma_wait3A = arith.constant 9984 : i32
        %dma_wait3A_186 = tpu.memref_slice %arg4[%dma_wait3A, %mul3A_0] : memref<10000x256xf32, #tpu.memory_space<hbm>> -> memref<16x128xf32, #tpu.memory_space<hbm>>
        %dma_wait3A_187 = arith.constant 9984 : i32
        %dma_wait3A_188 = arith.constant 0 : i32
        %dma_wait3A_189 = tpu.memref_slice %arg7[%dma_wait3A_187, %dma_wait3A_188] : memref<10000x128xf32, #tpu.memory_space<vmem_shared>> -> memref<16x128xf32, #tpu.memory_space<vmem_shared>>
        tpu.wait_dma2 semaphore(%run_scoped3A : memref<!tpu.dma_semaphore, #tpu.memory_space<semaphore_mem>>) src(%dma_wait3A_189 : memref<16x128xf32, #tpu.memory_space<vmem_shared>>) dst(%dma_wait3A_186 : memref<16x128xf32, #tpu.memory_space<hbm>>)
        tpu.yield
      }) : () -> ()
    } else {
    }
    return
  }
}

</mosaic_0001>

<sc_bundles>
// kernel: kernel.3.cloned.1.call-start
scs
__scs_entry_jumppad:
0x0: {  	(pc) =	sbr.rel $0x88, $3  }
0x1: {  	(tag) =	ssettag $0x0;
	lr =	simm.s32 $0x1  }
0x2: {  	[smem:$0x3F9F] =	sst lr;
	_ =	strace $0xD0000000  }
0x3: {  	_ = 	snop  }
0x4: {  	_ = 	snop  }
0x5: {  	_ = 	snop  }
0x6: {  	_ = 	snop  }
0x7: {  	_ = 	snop  }
__scs_overlays_trampoline_lowered:
0x8: {  	[smem:$0x3FAE] =	sst s0  }
0x9: {  	[smem:$0x3FAF] =	sst s1  }
0xa: {  	[smem:$0x3FB0] =	sst s2  }
0xb: {  	[smem:$0x3FB1] =	sst s3  }
0xc: {  	[smem:$0x3FB2] =	sst s4  }
0xd: {  	[smem:$0x3FB3] =	sst s5  }
0xe: {  	[smem:$0x3FB4] =	sst s6  }
0xf: {  	[smem:$0x3FB5] =	sst s7  }
0x10: {  	[smem:$0x3FB6] =	sst s8  }
0x11: {  	[smem:$0x3FB7] =	sst s9;
	s0 =	simm.s32 @!p0 $0x0  }
0x12: {  	s1 =	sld [smem:$0x3F9D];
	s0 =	simm.s32 @p0 $0x1  }
0x13: {  	[smem:$0x3FB8] =	sst s0;
	s0 =	simm.s32 @!p1 $0x0  }
0x14: {  	s2 =	sld [smem:$0x3F9C];
	s0 =	simm.s32 @p1 $0x1  }
0x15: {  	[smem:$0x3FB9] =	sst s0;
	s0 =	simm.s32 @!p2 $0x0  }
0x16: {  	s3 =	sld [smem:$0x3FDB];
	s0 =	simm.s32 @p2 $0x1  }
0x17: {  	s4 =	simm.s32 $0x1BF5;
	[smem:$0x3FBB] =	sst s0  }
0x18: {  	s0 =	sld [smem:$0x3F9E];
	_ =	swait.ge [sflag:s4], $0x0  }
0x19: {  	s7 =	sld [smem:$0x3F9F]  }
0x1a: {  	s8 =	sadd.s32 $0xFFFFE003, lr  }
0x1b: {  	s9 =	sadd.s32 $0xFFFFFEF7, lr;
	s5 =	simm.s32 $0xFFFFFFFF;
	p2 =	slt.u32 s8, $0xFFFFF086  }
0x1c: {  	p1 =	slt.u32 s9, $0xF7A;
	s5 =	simm.s32 @!p2 $0x0  }
0x1d: {  	s5 =	simm.s32 @p1 $0x1;
	p0 =	seq.s32 s7, s2  }
0x1e: {  	s7 =	smul.u32 @!p0 $0xF7A, s2;
	p2 =	seq.s32 @!p0 s5, $0x0  }
0x1f: {  	s9 =	smul.u32 $0xF7A, s1;
	s8 =	simm.s32 @!p0 $0x1BF5;
	p2 =	por !p2, p0  }
0x20: {  	[sflag:s8] =	ssyncset.s32 @!p0 $0xFFFFF086;
	s6 =	sadd.s32 @!p0 s3, s7;
	s7 =	simm.s32 @!p0 $0x108  }
0x21: {  	s3 =	sadd.s32 s3, s9;
	s6 =	sadd.s32 @!p0 $0x88, s6;
	s7 =	simm.s32 @p2 $0x1082  }
0x22: {  	[simem:s7], [sflag:s8] =	dma.local @!p0 [hbm:s6], $0xF7A  }
0x23: {  	s9 =	sor.u32 $0xD0000000, s2;
	s6 =	simm.s32 $0x108;
	_ =	swait.ge @!p0 [sflag:s8], $0x0  }
0x24: {  	s3 =	sadd.s32 $0x88, s3;
	s6 =	simm.s32 @!p1 $0x1082;
	[sflag:s4] =	ssyncset.s32 $0xFFFFF086  }
0x25: {  	[simem:s6], [sflag:s4] =	dma.local [hbm:s3], $0xF7A  }
0x26: {  	[smem:$0x3F9F] =	sst s1;
	(tag) =	ssettag s2;
	_ =	strace s9  }
0x27: {  	s1 =	sld [smem:$0x3FAF]  }
0x28: {  	s2 =	sld [smem:$0x3FB0]  }
0x29: {  	s4 =	sld [smem:$0x3FB2]  }
0x2a: {  	p0 =	seq.s32 s5, $0x0;
	s5 =	sld [smem:$0x3FB3]  }
0x2b: {  	s6 =	sld [smem:$0x3FB4]  }
0x2c: {  	s7 =	sld [smem:$0x3FB5]  }
0x2d: {  	s3 =	simm.s32 $0x108;
	s8 =	sld [smem:$0x3FB6]  }
0x2e: {  	s3 =	simm.s32 @!p0 $0x1082;
	s9 =	sld [smem:$0x3FB7]  }
0x2f: {  	lr =	sadd.s32 s0, s3;
	s0 =	sld [smem:$0x3FAE]  }
0x30: {  	s3 =	sld [smem:$0x3FB1]  }
0x31: {  	[smem:$0x3FBA] =	sst s10  }
0x32: {  	s10 =	sld [smem:$0x3FB8];
	_ =	sdelay $0x3  }
0x33: {  	p0 =	seq.s32 s10, $0x1;
	s10 =	sld [smem:$0x3FBA];
	_ =	sdelay $0x3  }
0x34: {  	[smem:$0x3FBA] =	sst s10  }
0x35: {  	s10 =	sld [smem:$0x3FB9];
	_ =	sdelay $0x3  }
0x36: {  	p1 =	seq.s32 s10, $0x1;
	s10 =	sld [smem:$0x3FBA];
	_ =	sdelay $0x3  }
0x37: {  	[smem:$0x3FBA] =	sst s10  }
0x38: {  	s10 =	sld [smem:$0x3FBB]  }
0x39: {  	_ = 	snop;
	(pc) =	sbr.ind lr, $3  }
0x3a: {  	_ = 	snop  }
0x3b: {  	_ = 	snop  }
0x3c: {  	p2 =	seq.s32 s10, $0x1;
	s10 =	sld [smem:$0x3FBA]  }
0x3d: {  	_ =	shalt  }
0x3e: {  	_ =	shalt  }
0x3f: {  	_ =	shalt  }
0x40: {  	_ =	shalt  }
0x41: {  	_ =	shalt  }
0x42: {  	_ =	shalt  }
0x43: {  	_ =	shalt  }
0x44: {  	_ =	shalt  }
0x45: {  	_ =	shalt  }
0x46: {  	_ =	shalt  }
0x47: {  	_ =	shalt  }
0x48: {  	_ =	shalt  }
0x49: {  	_ =	shalt  }
0x4a: {  	_ =	shalt  }
0x4b: {  	_ =	shalt  }
0x4c: {  	_ =	shalt  }
0x4d: {  	_ =	shalt  }
0x4e: {  	_ =	shalt  }
0x4f: {  	_ =	shalt  }
0x50: {  	_ =	shalt  }
0x51: {  	_ =	shalt  }
0x52: {  	_ =	shalt  }
0x53: {  	_ =	shalt  }
0x54: {  	_ =	shalt  }
0x55: {  	_ =	shalt  }
0x56: {  	_ =	shalt  }
0x57: {  	_ =	shalt  }
0x58: {  	_ =	shalt  }
0x59: {  	_ =	shalt  }
0x5a: {  	_ =	shalt  }
0x5b: {  	_ =	shalt  }
0x5c: {  	_ =	shalt  }
0x5d: {  	_ =	shalt  }
0x5e: {  	_ =	shalt  }
0x5f: {  	_ =	shalt  }
0x60: {  	_ =	shalt  }
0x61: {  	_ =	shalt  }
0x62: {  	_ =	shalt  }
0x63: {  	_ =	shalt  }
0x64: {  	_ =	shalt  }
0x65: {  	_ =	shalt  }
0x66: {  	_ =	shalt  }
0x67: {  	_ =	shalt  }
0x68: {  	_ =	shalt  }
0x69: {  	_ =	shalt  }
0x6a: {  	_ =	shalt  }
0x6b: {  	_ =	shalt  }
0x6c: {  	_ =	shalt  }
0x6d: {  	_ =	shalt  }
0x6e: {  	_ =	shalt  }
0x6f: {  	_ =	shalt  }
0x70: {  	_ =	shalt  }
0x71: {  	_ =	shalt  }
0x72: {  	_ =	shalt  }
0x73: {  	_ =	shalt  }
0x74: {  	_ =	shalt  }
0x75: {  	_ =	shalt  }
0x76: {  	_ =	shalt  }
0x77: {  	_ =	shalt  }
0x78: {  	_ =	shalt  }
0x79: {  	_ =	shalt  }
0x7a: {  	_ =	shalt  }
0x7b: {  	_ =	shalt  }
0x7c: {  	_ =	shalt  }
0x7d: {  	_ =	shalt  }
0x7e: {  	_ =	shalt  }
0x7f: {  	_ =	shalt  }
0x80: {  	_ =	shalt  }
0x81: {  	_ =	shalt  }
0x82: {  	_ =	shalt  }
0x83: {  	_ =	shalt  }
0x84: {  	_ =	shalt  }
0x85: {  	_ =	shalt  }
0x86: {  	_ =	shalt  }
0x87: {  	_ =	shalt  }
.Lfunc_end0:
.L_simem_size_0:
called_computation_lowered:
.L_overlay_start_0:
0x88: {  	s2 =	sld [smem:$0x3FD9]  }
0x89: {  	s3 =	sld [smem:$0x3FFE];
	_ =	sdelay $0x1  }
0x8a: {  	s1 =	srdreg.scid  }
0x8b: {  	s0 =	sand.u32 $0x1, s1  }
0x8c: {  	s17 =	sshll.u32 s0, $0xA;
	s2 =	sadd.s32 s3, s2  }
0x8d: {  	s2 =	sadd.s32 s2, s17  }
0x8e: {  	[smem:$0x3FC6] =	sst s2  }
0x8f: {  	_ = 	snop  }
0x90: {  	s2 =	sld [smem:$0x3FC9]  }
0x91: {  	s18 =	sld [smem:$0x3FD0];
	(tm) =	ssettm $0x1  }
0x92: {  	s4 =	sld [smem:$0x3FFB];
	_ =	sdelay $0x3  }
0x93: {  	_ =	strace s4  }
0x94: {  	s4 =	sld [smem:$0x3FFC];
	_ =	sdelay $0x3  }
0x95: {  	_ =	strace s4  }
0x96: {  	s4 =	sld [smem:$0x3FFD];
	_ =	sdelay $0x3  }
0x97: {  	_ =	strace s4  }
0x98: {  	_ =	strace $0x8FFFFFFF  }
0x99: {  	s19 =	sld [smem:$0x3FDB];
	_ =	sdelay $0x1  }
0x9a: {  	s5 =	simm.s32 $_scs_section_size  }
0x9b: {  	s6 =	simm.s32 $_size__tile_overlayer_lowered;
	s7 =	simm.s32 $_tile_overlayer_lowered  }
0x9c: {  	s22 =	simm.s32 $0x1BFF;
	s21 =	sshll.u32 s7, $0x1;
	s4 =	sadd.s32 s5, s19  }
0x9d: {  	s8 =	simm.s32 $0x0;
	s20 =	sshll.u32 s6, $0x1;
	s6 =	sadd.s32 s21, s4  }
0x9e: {  	[timem:s8], [sflag:s22] =	dma.local [hbm:s6], s20  }
0x9f: {  	_ =	swait.ge [sflag:s22], s20  }
0xa0: {  	s5 =	ssub.s32 $0x0, s20;
	[sflag:s22] =	ssyncset.done $0x0  }
0xa1: {  	[sflag:s22] =	ssyncadd.s32 s5;
	_ =	sdelay $0x1  }
0xa2: {  	s23 =	simm.s32 $0x1B8B  }
0xa3: {  	_ =	swait.ge [sflag:s23], $0x1  }
0xa4: {  	[sflag:s23] =	ssyncset.done $0x0  }
0xa5: {  	s25 =	simm.s32 $0x1B8E;
	s24 =	sld [smem:$0x3FFE];
	[sflag:s23] =	ssyncadd.s32 $0xFFFFFFFF  }
0xa6: {  	s26 =	simm.s32 $execute0_lowered;
	[smem:$0x3FD2] =	sst s25  }
0xa7: {  	s6 =	sshll.u32 s26, $0x1;
	_ =	strace $0x80000046;
	[dreg:$0x1] =	wrdreg $0xFFFFFFFF  }
0xa8: {  	s28 =	simm.s32 $_size_execute0_lowered;
	s4 =	sadd.s32 s4, s6;
	[dreg:$0x0] =	wrdreg $0x0  }
0xa9: {  	s6 =	sshll.u32 s28, $0x1;
	[dreg:$0x2] =	wrdreg s4  }
0xaa: {  	[dreg:$0x3] =	wrdreg s6  }
0xab: {  	[dreg:$0x4] =	wrdreg $0xC0  }
0xac: {  	_ =	task [dreg:s8], $0x5FFFF  }
0xad: {  	[dreg:$0x1] =	wrdreg $0xFFFFFFFF  }
0xae: {  	[dreg:$0x0] =	wrdreg $0x60  }
0xaf: {  	[dreg:$0x2] =	wrdreg s2  }
0xb0: {  	[dreg:$0x3] =	wrdreg s24  }
0xb1: {  	[dreg:$0x4] =	wrdreg s18  }
0xb2: {  	[dreg:$0x5] =	wrdreg $0xB0000  }
0xb3: {  	[dreg:$0x6] =	wrdreg $0x9  }
0xb4: {  	_ =	task.clear_ibuf [dreg:s8], $0x7FFFF;
	_ =	strace $0x90000046  }
0xb5: {  	s29 =	simm.s32 $0x9;
	_ =	strace $0x80000048  }
0xb6: {  	_ =	swait.ge [sflag:s29], $0x1  }
0xb7: {  	[sflag:s29] =	ssyncadd.s32 $0xFFFFFFFF  }
0xb8: {  	_ =	strace $0x90000048  }
0xb9: {  	_ =	sfence  }
0xba: {  	s30 =	sld [smem:$0x0];
	_ =	sdelay $0x2  }
0xbb: {  	s31 =	sshll.u32 s1, $0xD;
	s1 =	sshrl.u32 s1, $0x2  }
0xbc: {  	s3 =	sand.u32 $0x4000, s31;
	s1 =	sadd.s32 s1, s30  }
0xbd: {  	s0 =	sor.u32 s3, s0;
	s1 =	sshll.u32 s1, $0x11  }
0xbe: {  	s0 =	sor.u32 s1, s0  }
0xbf: {  	s0 =	sadd.s32 $0x8F2B, s0  }
0xc0: {  	[sflag:s0] =	ssyncadd.remote.s32 $0x1  }
0xc1: {  	_ =	sfence.sel $0xFFFF  }
0xc2: {  	[dreg:$0x0] =	wrdreg $0xFFFFFFFF;
	(pc) =	sbr.abs _section_cstart, $3  }
0xc3: {  	[dreg:$0x1] =	wrdreg $0xFFFFFFFF  }
0xc4: {  	_ =	task.clear_ibuf [dreg:s8], $0x2FFFF;
	_ =	strace $0x9FFFFFFF  }
0xc5: {  	(tm) =	ssettm $0x7FFFFFFF  }
tec
execute0_lowered:
.L_overlay_start_1:
0x0: {  	(tag) =	ssettag $0x1  }
0x1: {  	s0 =	srdreg.scid  }
0x2: {  	s1 =	stileid.u32;
	s10 =	rddreg [dreg:$0x0]  }
0x3: {  	s2 =	rddreg [dreg:$0x1];
	s25 =	smul.u32 $0x280000, s1  }
0x4: {  	s26 =	simm.s32 $0x0;
	s11 =	sand.u32 $0x1, s0;
	s6 =	smul.u32 $0xA00, s1  }
0x5: {  	s14 =	sor.u32 $0x10, s1;
	s9 =	sor.u32 $0x20, s1;
	s7 =	sor.u32 $0x30, s1  }
0x6: {  	s8 =	sor.u32 $0x40, s1;
	s15 =	sshll.u32 s1, $0xE;
	[smem:$0x7FF] =	sst s26  }
0x7: {  	p0 =	sgt.u32 s1, $0xB;
	p3 =	seq.s32 s1, $0xF;
	s30 =	smul.u32 $0xA0, s1  }
0x8: {  	s3 =	ssub.s32 $0x2, s11;
	s12 =	sshll.u32 s11, $0xA;
	s16 =	sshll.u32 s14, $0xE  }
0x9: {  	s17 =	sshll.u32 s9, $0xE;
	s18 =	sshll.u32 s7, $0xE;
	s19 =	sshll.u32 s8, $0xE  }
0xa: {  	s11 =	sshll.u32 s11, $0x7;
	s9 =	sshll.u32 s9, $0xD;
	s7 =	sshll.u32 s7, $0xD  }
0xb: {  	s8 =	sshll.u32 s8, $0xD;
	p1 =	sne.s32 @!p0 s1, $0x0;
	s4 =	sshrl.u32 s3, $0x1  }
0xc: {  	s5 =	sor.u32 s12, s25;
	s2 =	sadd.s32 s2, s6;
	s6 =	sor.u32 $0x50, s1  }
0xd: {  	s15 =	sor.u32 s12, s15;
	s16 =	sor.u32 s12, s16;
	s17 =	sor.u32 s12, s17  }
0xe: {  	s18 =	sor.u32 s12, s18;
	s19 =	sor.u32 s12, s19;
	s25 =	smul.u32 $0x50000, s1  }
0xf: {  	p2 =	por p1, p0;
	p1 =	por !p1, p0;
	s0 =	ssub.s32 s3, s4  }
0x10: {  	s13 =	sshrl.u32 s5, $0x3;
	[dreg:$0x5] =	wrdreg s2;
	s4 =	sor.u32 $0x60, s1  }
0x11: {  	s5 =	sor.u32 $0x70, s1;
	s3 =	sor.u32 $0x80, s1;
	s2 =	sor.u32 $0x90, s1  }
0x12: {  	s20 =	sshll.u32 s6, $0xE;
	s26 =	sshrl.u32 s15, $0x3;
	s15 =	sshrl.u32 s16, $0x3  }
0x13: {  	s16 =	sshrl.u32 s17, $0x3;
	s17 =	sshrl.u32 s18, $0x3;
	s19 =	sshrl.u32 s19, $0x3  }
0x14: {  	s6 =	sshll.u32 s6, $0xD;
	s20 =	sor.u32 s12, s20;
	s21 =	sshll.u32 s4, $0xE  }
0x15: {  	s22 =	sshll.u32 s5, $0xE;
	s23 =	sshll.u32 s3, $0xE;
	s24 =	sshll.u32 s2, $0xE  }
0x16: {  	s28 =	sadd.s32 s10, s13;
	s10 =	sadd.s32 s25, s10;
	s4 =	sshll.u32 s4, $0xD  }
0x17: {  	s5 =	sshll.u32 s5, $0xD;
	s3 =	sshll.u32 s3, $0xD;
	s2 =	sshll.u32 s2, $0xD  }
0x18: {  	s0 =	smax.u32 s0, $0x1;
	s21 =	sor.u32 s12, s21;
	s22 =	sor.u32 s12, s22  }
0x19: {  	s23 =	sor.u32 s12, s23;
	s12 =	sor.u32 s12, s24;
	s24 =	rddreg [dreg:$0x2]  }
0x1a: {  	s25 =	sshrl.u32 s20, $0x3;
	s20 =	sshll.u32 s14, $0xD;
	s13 =	sadd.s32 s24, s26  }
0x1b: {  	s18 =	sadd.s32 s24, s17;
	s26 =	sshrl.u32 s21, $0x3;
	s17 =	sshrl.u32 s22, $0x3  }
0x1c: {  	s12 =	sshrl.u32 s12, $0x3;
	s21 =	sshll.u32 s1, $0xD;
	[dreg:$0x7] =	wrdreg s13  }
0x1d: {  	s13 =	sadd.s32 s24, s15;
	[dreg:$0xa] =	wrdreg s18;
	s18 =	sshrl.u32 s23, $0x3  }
0x1e: {  	s12 =	sadd.s32 s24, s12;
	s15 =	rddreg [dreg:$0x3];
	s23 =	sadd.s32 $0x800, s28  }
0x1f: {  	[dreg:$0x8] =	wrdreg s13;
	s13 =	sadd.s32 s24, s16;
	s16 =	sadd.s32 s24, s26  }
0x20: {  	[dreg:$0x10] =	wrdreg s12;
	s14 =	sadd.s32 s21, s15;
	s29 =	sadd.s32 s7, s15  }
0x21: {  	s31 =	sadd.s32 s8, s15;
	s6 =	sadd.s32 s6, s15;
	[dreg:$0x9] =	wrdreg s13  }
0x22: {  	s4 =	sadd.s32 s4, s15;
	s13 =	sadd.s32 s24, s19;
	[dreg:$0xd] =	wrdreg s16  }
0x23: {  	s26 =	sadd.s32 s2, s15;
	[dreg:$0xb] =	wrdreg s13;
	s13 =	sadd.s32 s24, s25  }
0x24: {  	s12 =	sadd.s32 $0x138000, s15;
	[dreg:$0xc] =	wrdreg s13;
	s13 =	sadd.s32 s24, s17  }
0x25: {  	s2 =	simm.s32 $0x400;
	[dreg:$0xe] =	wrdreg s13;
	s13 =	sadd.s32 s24, s18  }
0x26: {  	s7 =	simm.s32 $0x8;
	s8 =	simm.s32 $0x100;
	[dreg:$0xf] =	wrdreg s13  }
0x27: {  	s19 =	sadd.s32 s11, s24;
	_ =	strace $0x80000047;
	[dreg:$0x11] =	wrdreg s6  }
0x28: {  	s16 =	sadd.s32 s11, s10;
	s22 =	sadd.s32 $0x4E000, s19;
	[dreg:$0x12] =	wrdreg s4  }
0x29: {  	s10 =	simm.s32 $0x0;
	s25 =	sadd.s32 s3, s15;
	[dreg:$0x13] =	wrdreg s22  }
0x2a: {  	s17 =	sadd.s32 s20, s15;
	s18 =	sadd.s32 s9, s15;
	[dreg:$0x14] =	wrdreg s0  }
0x2b: {  	s24 =	sadd.s32 s5, s15;
	s0 =	simm.s32 @!p2 $0x0;
	[dreg:$0x15] =	wrdreg s23  }
0x2c: {  	s5 =	simm.s32 $0x4;
	[dreg:$0x6] =	wrdreg s28;
	s0 =	simm.s32 @p2 $0x1  }
0x2d: {  	s28 =	sadd.s32 $0x1000, s28;
	[smem:$0x7FC] =	sst s0;
	s0 =	simm.s32 @!p1 $0x0  }
0x2e: {  	s9 =	simm.s32 $0x80;
	[dreg:$0x16] =	wrdreg s28;
	s0 =	simm.s32 @p1 $0x1  }
0x2f: {  	v0 =	vimm.f32 $0.0e+00;
	s4 =	simm.s32 $0x800;
	s6 =	simm.s32 $0x5000;
	[smem:$0x7FD] =	sst s0  }
.LBB2_1:
0x30: {  	s0 =	rddreg [dreg:$0x6];
	s1 =	simm.s32 $0x7000  }
0x31: {  	[tilespmem:s1], [sflag:$0x2] =	stream.strided.gather [hbm4b:s0+s2], $0x2000, s4, s2, $0x38;
	[tilespmem:$0x1E880] =	vst v63  }
0x32: {  	s20 =	rddreg [dreg:$0x15];
	s21 =	simm.s32 $0x9000  }
0x33: {  	[tilespmem:s21], [sflag:$0x3] =	stream.strided.gather [hbm4b:s20+s2], $0x2000, s4, s2, $0x38;
	[tilespmem:$0x1E880] =	vst v63  }
0x34: {  	s22 =	simm.s32 $0x0;
	s23 =	rddreg [dreg:$0x5]  }
0x35: {  	[tilespmem:s22], [sflag:$0x4] =	stream.linear.gather [hbm4b:s23+s22], $0x5000, $0x38;
	[tilespmem:$0x1E880] =	vst v63  }
0x36: {  	s3 =	simm.s32 $0x40;
	s28 =	sand.u32 $0x7E00, s22;
	_ =	swait.ge [sflag:s5], $0x5000  }
0x37: {  	s11 =	sand.u32 $0x70, s22;
	s0 =	sshrl.u32 s28, $0x2;
	[sflag:s5] =	ssyncset.done $0x0  }
0x38: {  	s0 =	sor.u32 s11, s0;
	s11 =	simm.s32 $0x0;
	[sflag:s5] =	ssyncadd.s32 $0xFFFFB000  }
.LBB2_2:
0x39: {  	p1 =	sne.s32 s3, $0x7FC0  }
0x3a: {  	[tilespmem:s0+$0x5000] =	vst v0;
	s11 =	sadd.s32 $0x10, s11;
	s0 =	smov.u32 s3;
	s3 =	sadd.s32 $0x40, s3  }
.Ltmp0:
0x3b: {  	(pc) =	sbr.rel @p1 .LBB2_2-.Ltmp0, $4  }
0x3c: {  	_ = 	snop  }
0x3d: {  	s0 =	sand.u32 $0x7E00, s0  }
0x3e: {  	s13 =	sand.u32 $0x70, s11;
	s0 =	sshrl.u32 s0, $0x2  }
0x3f: {  	s0 =	sor.u32 s13, s0  }
0x40: {  	[tilespmem:s0+$0x5000] =	vst v0  }
0x41: {  	[spmem:s14] =	stream.linear.scatter [tilespmem:s6], [sflag:$0x4], $0x2000, $0x38;
	[tilespmem:$0x1E880] =	vst v63  }
0x42: {  	_ =	swait.ge [sflag:s5], $0x2000  }
0x43: {  	[sflag:s5] =	ssyncset.done $0x0  }
0x44: {  	[sflag:s5] =	ssyncadd.s32 $0xFFFFE000  }
0x45: {  	[spmem:s17] =	stream.linear.scatter [tilespmem:s6], [sflag:$0x4], $0x2000, $0x38;
	[tilespmem:$0x1E880] =	vst v63  }
0x46: {  	_ =	swait.ge [sflag:s5], $0x2000  }
0x47: {  	[sflag:s5] =	ssyncset.done $0x0  }
0x48: {  	[sflag:s5] =	ssyncadd.s32 $0xFFFFE000  }
0x49: {  	[spmem:s18] =	stream.linear.scatter [tilespmem:s6], [sflag:$0x4], $0x2000, $0x38;
	[tilespmem:$0x1E880] =	vst v63  }
0x4a: {  	_ =	swait.ge [sflag:s5], $0x2000  }
0x4b: {  	[sflag:s5] =	ssyncset.done $0x0  }
0x4c: {  	[sflag:s5] =	ssyncadd.s32 $0xFFFFE000  }
0x4d: {  	[spmem:s29] =	stream.linear.scatter [tilespmem:s6], [sflag:$0x4], $0x2000, $0x38;
	[tilespmem:$0x1E880] =	vst v63  }
0x4e: {  	_ =	swait.ge [sflag:s5], $0x2000  }
0x4f: {  	[sflag:s5] =	ssyncset.done $0x0  }
0x50: {  	[sflag:s5] =	ssyncadd.s32 $0xFFFFE000  }
0x51: {  	[spmem:s31] =	stream.linear.scatter [tilespmem:s6], [sflag:$0x4], $0x2000, $0x38;
	[tilespmem:$0x1E880] =	vst v63  }
0x52: {  	_ =	swait.ge [sflag:s5], $0x2000  }
0x53: {  	[sflag:s5] =	ssyncset.done $0x0  }
0x54: {  	s11 =	rddreg [dreg:$0x11];
	[sflag:s5] =	ssyncadd.s32 $0xFFFFE000  }
0x55: {  	[spmem:s11] =	stream.linear.scatter [tilespmem:s6], [sflag:$0x4], $0x2000, $0x38;
	[tilespmem:$0x1E880] =	vst v63  }
0x56: {  	_ =	swait.ge [sflag:s5], $0x2000  }
0x57: {  	[sflag:s5] =	ssyncset.done $0x0  }
0x58: {  	s13 =	rddreg [dreg:$0x12];
	[sflag:s5] =	ssyncadd.s32 $0xFFFFE000  }
0x59: {  	[spmem:s13] =	stream.linear.scatter [tilespmem:s6], [sflag:$0x4], $0x2000, $0x38;
	[tilespmem:$0x1E880] =	vst v63  }
0x5a: {  	_ =	swait.ge [sflag:s5], $0x2000  }
0x5b: {  	[sflag:s5] =	ssyncset.done $0x0  }
0x5c: {  	[sflag:s5] =	ssyncadd.s32 $0xFFFFE000  }
0x5d: {  	[spmem:s24] =	stream.linear.scatter [tilespmem:s6], [sflag:$0x4], $0x2000, $0x38;
	[tilespmem:$0x1E880] =	vst v63  }
0x5e: {  	_ =	swait.ge [sflag:s5], $0x2000  }
0x5f: {  	[sflag:s5] =	ssyncset.done $0x0  }
0x60: {  	[sflag:s5] =	ssyncadd.s32 $0xFFFFE000  }
0x61: {  	[spmem:s25] =	stream.linear.scatter [tilespmem:s6], [sflag:$0x4], $0x2000, $0x38;
	[tilespmem:$0x1E880] =	vst v63  }
0x62: {  	_ =	swait.ge [sflag:s5], $0x2000  }
0x63: {  	[sflag:s5] =	ssyncset.done $0x0  }
0x64: {  	s0 =	simm.s32 @!p0 $0x5000;
	[sflag:s5] =	ssyncadd.s32 $0xFFFFE000  }
0x65: {  	[spmem:s26] =	stream.linear.scatter @!p0 [tilespmem:s0], [sflag:$0x4], $0x2000, $0x38;
	[tilespmem:$0x1E880] =	vst v63  }
0x66: {  	s0 =	simm.s32 @!p0 $0x4  }
0x67: {  	_ =	swait.ge @!p0 [sflag:s0], $0x2000  }
0x68: {  	s19 =	smov.u32 s14;
	s14 =	sld [smem:$0x7FC];
	_ =	sdelay $0x2  }
0x69: {  	[sflag:s0] =	ssyncset.done @!p0 $0x0;
	p2 =	seq.s32 s14, $0x1  }
0x6a: {  	[sflag:s0] =	ssyncadd.s32 @!p0 $0xFFFFE000;
	s0 =	simm.s32 @!p2 $0x5000  }
0x6b: {  	[spmem:s12] =	stream.linear.scatter @!p2 [tilespmem:s0], [sflag:$0x4], $0x800, $0x38;
	[tilespmem:$0x1E880] =	vst v63  }
0x6c: {  	s0 =	simm.s32 @!p2 $0x4  }
0x6d: {  	_ =	swait.ge @!p2 [sflag:s0], $0x800  }
0x6e: {  	[sflag:s0] =	ssyncset.done @!p2 $0x0  }
0x6f: {  	[sflag:s0] =	ssyncadd.s32 @!p2 $0xFFFFF800  }
0x70: {  	[bflag:$0x0] =	sbarrier.arrive $0xFFFF  }
0x71: {  	s20 =	smov.u32 s17;
	s21 =	smov.u32 s18;
	s18 =	sld [smem:$0x7FD]  }
0x72: {  	s22 =	smov.u32 s29;
	s23 =	smov.u32 s31;
	s17 =	rddreg [dreg:$0x16]  }
0x73: {  	[tilespmem:s6], [sflag:$0x1] =	stream.strided.gather [hbm4b:s17+s2], $0x2000, s4, s2, $0x38;
	[tilespmem:$0x1E880] =	vst v63  }
0x74: {  	p1 =	por @!p0 $0x0, $0x0;
	p2 =	por @!p2 $0x1, $0x1;
	p4 =	seq.s32 s18, $0x1  }
0x75: {  	p2 =	por @!p4 p1, p1;
	p4 =	por $0x0, $0x0;
	p1 =	sgt.u32 s30, $0x9C3  }
0x76: {  	s3 =	simm.s32 $0x0;
	p4 =	por @!p0 p2, p2;
	s0 =	simm.s32 @!p1 $0x2  }
0x77: {  	p2 =	sgt.u32 @!p1 s30, $0x9C0;
	s11 =	simm.s32 @!p1 $0x4;
	_ =	swait.ge @!p1 [sflag:s0], $0x2000  }
0x78: {  	s14 =	simm.s32 @!p1 $0x7000;
	p2 =	por p2, p1;
	[sflag:s0] =	ssyncset.done @!p1 $0x0  }
0x79: {  	s13 =	sadd.s32 @!p2 $0x0, s16;
	[sflag:s0] =	ssyncadd.s32 @!p1 $0xFFFFE000;
	s0 =	simm.s32 @!p1 $0x40  }
0x7a: {  	[spmem:s15] =	stream.indirect.scatter.add.f32 @!p1 [tilespmem:s14], [sflag:$0x4], $0x80, s3, s0, $0xb8;
	[tilespmem:$0x1E880] =	vst v63  }
0x7b: {  	s0 =	sadd.s32 @!p2 $0x1800, s13;
	s3 =	simm.s32 @!p2 $0x800;
	_ =	swait.ge @!p1 [sflag:s11], $0x2000  }
0x7c: {  	s13 =	simm.s32 @!p2 $0x7000;
	s14 =	sadd.s32 $0x1, s30;
	[sflag:s11] =	ssyncset.done @!p1 $0x0  }
0x7d: {  	[sflag:s11] =	ssyncadd.s32 @!p1 $0xFFFFE000;
	s11 =	simm.s32 @!p2 $0x400;
	p1 =	sgt.u32 s14, $0x9C3  }
0x7e: {  	[tilespmem:s13], [sflag:$0x2] =	stream.strided.gather @!p2 [hbm4b:s0+s11], $0x2000, s3, s11, $0x38;
	[tilespmem:$0x1E880] =	vst v63  }
0x7f: {  	s11 =	simm.s32 $0x1800;
	s0 =	sadd.s32 $0x2, s30;
	s3 =	simm.s32 @!p1 $0x3  }
0x80: {  	s13 =	simm.s32 @!p1 $0x40;
	p2 =	sgt.u32 @!p1 s14, $0x9C0;
	s14 =	simm.s32 @!p1 $0x9000  }
0x81: {  	s28 =	simm.s32 @!p1 $0x80;
	_ =	swait.ge @!p1 [sflag:s3], $0x2000;
	p2 =	por p2, p1  }
0x82: {  	p6 =	sgt.u32 s0, $0x9C3;
	[sflag:s3] =	ssyncset.done @!p1 $0x0;
	s29 =	simm.s32 @!p2 $0x800  }
0x83: {  	s31 =	simm.s32 @!p6 $0x100;
	[sflag:s3] =	ssyncadd.s32 @!p1 $0xFFFFE000;
	s3 =	simm.s32 @!p1 $0x4  }
0x84: {  	[spmem:s15] =	stream.indirect.scatter.add.f32 @!p1 [tilespmem:s14], [sflag:$0x4], $0x80, s28, s13, $0xb8;
	[tilespmem:$0x1E880] =	vst v63  }
0x85: {  	s13 =	sadd.s32 @!p2 $0x0, s16;
	s14 =	simm.s32 @!p2 $0x9000;
	_ =	swait.ge @!p1 [sflag:s3], $0x2000  }
0x86: {  	s28 =	simm.s32 @!p2 $0x400;
	s13 =	sadd.s32 @!p2 $0x2000, s13;
	[sflag:s3] =	ssyncset.done @!p1 $0x0  }
0x87: {  	[sflag:s3] =	ssyncadd.s32 @!p1 $0xFFFFE000;
	s3 =	simm.s32 @!p6 $0x1;
	p1 =	sgt.u32 @!p6 s0, $0x9C0  }
0x88: {  	[tilespmem:s14], [sflag:$0x3] =	stream.strided.gather @!p2 [hbm4b:s13+s28], $0x2000, s29, s28, $0x38;
	[tilespmem:$0x1E880] =	vst v63  }
0x89: {  	s0 =	simm.s32 @!p6 $0x40;
	s14 =	simm.s32 $0x180;
	_ =	swait.ge @!p6 [sflag:s3], $0x2000  }
0x8a: {  	s13 =	sadd.s32 $0x3, s30;
	s29 =	simm.s32 @!p6 $0x5000;
	[sflag:s3] =	ssyncset.done @!p6 $0x0  }
0x8b: {  	s28 =	simm.s32 @!p6 $0x4;
	p2 =	por p1, p6;
	[sflag:s3] =	ssyncadd.s32 @!p6 $0xFFFFE000  }
0x8c: {  	[spmem:s15] =	stream.indirect.scatter.add.f32 @!p6 [tilespmem:s29], [sflag:$0x4], $0x80, s31, s0, $0xb8;
	[tilespmem:$0x1E880] =	vst v63  }
0x8d: {  	s0 =	sadd.s32 @!p2 $0x0, s16;
	s29 =	simm.s32 @!p2 $0x800;
	_ =	swait.ge @!p6 [sflag:s28], $0x2000  }
0x8e: {  	s31 =	sadd.s32 @!p2 $0x2800, s0;
	s0 =	simm.s32 @!p2 $0x400;
	[sflag:s28] =	ssyncset.done @!p6 $0x0  }
.LBB2_4:
0x8f: {  	[sflag:s28] =	ssyncadd.s32 @!p6 $0xFFFFE000;
	s1 =	simm.s32 @!p2 $0x5000;
	s3 =	smov.u32 s11  }
0x90: {  	s11 =	sadd.s32 $0x1800, s11;
	s28 =	smov.u32 s14;
	s2 =	smov.u32 s13  }
0x91: {  	[tilespmem:s1], [sflag:$0x1] =	stream.strided.gather @!p2 [hbm4b:s31+s0], $0x2000, s29, s0, $0x38;
	[tilespmem:$0x1E880] =	vst v63  }
0x92: {  	s14 =	sadd.s32 $0x180, s14;
	p2 =	sgt.u32 s13, $0x9C3;
	p5 =	sne.s32 s11, $0x4E000  }
0x93: {  	s13 =	sadd.s32 $0x3, s13;
	s0 =	simm.s32 @!p2 $0x2;
	p1 =	sgt.u32 @!p2 s2, $0x9C0  }
0x94: {  	s1 =	sadd.s32 $0x2, s2;
	p6 =	por p1, p2;
	_ =	swait.ge @!p2 [sflag:s0], $0x2000  }
0x95: {  	s29 =	simm.s32 @!p2 $0x4;
	s31 =	sadd.s32 @!p6 s3, s16;
	[sflag:s0] =	ssyncset.done @!p2 $0x0  }
0x96: {  	s4 =	simm.s32 @!p2 $0x7000;
	[sflag:s0] =	ssyncadd.s32 @!p2 $0xFFFFE000;
	s0 =	simm.s32 @!p2 $0x40  }
0x97: {  	[spmem:s15] =	stream.indirect.scatter.add.f32 @!p2 [tilespmem:s4], [sflag:$0x4], $0x80, s28, s0, $0xb8;
	[tilespmem:$0x1E880] =	vst v63  }
0x98: {  	s0 =	sadd.s32 @!p6 $0x1800, s31;
	s4 =	simm.s32 @!p6 $0x800;
	_ =	swait.ge @!p2 [sflag:s29], $0x2000  }
0x99: {  	s2 =	sadd.s32 $0x1, s2;
	s31 =	simm.s32 @!p6 $0x7000;
	[sflag:s29] =	ssyncset.done @!p2 $0x0  }
0x9a: {  	[sflag:s29] =	ssyncadd.s32 @!p2 $0xFFFFE000;
	s29 =	simm.s32 @!p6 $0x400;
	p2 =	sgt.u32 s2, $0x9C3  }
0x9b: {  	s17 =	simm.s32 @!p2 $0x3;
	s18 =	simm.s32 @!p2 $0x40;
	p1 =	sgt.u32 @!p2 s2, $0x9C0  }
0x9c: {  	[tilespmem:s31], [sflag:$0x2] =	stream.strided.gather @!p6 [hbm4b:s0+s29], $0x2000, s4, s29, $0x38;
	[tilespmem:$0x1E880] =	vst v63  }
0x9d: {  	s0 =	simm.s32 @!p2 $0x9000;
	p1 =	por p1, p2;
	_ =	swait.ge @!p2 [sflag:s17], $0x2000  }
0x9e: {  	s2 =	sadd.s32 @!p2 $0x80, s28;
	p6 =	sgt.u32 s1, $0x9C3;
	[sflag:s17] =	ssyncset.done @!p2 $0x0  }
0x9f: {  	s4 =	simm.s32 @!p2 $0x4;
	[sflag:s17] =	ssyncadd.s32 @!p2 $0xFFFFE000;
	s17 =	sadd.s32 @!p1 s3, s16  }
0xa0: {  	[spmem:s15] =	stream.indirect.scatter.add.f32 @!p2 [tilespmem:s0], [sflag:$0x4], $0x80, s2, s18, $0xb8;
	[tilespmem:$0x1E880] =	vst v63  }
0xa1: {  	s0 =	sadd.s32 @!p1 $0x2000, s17;
	s2 =	simm.s32 @!p1 $0x9000;
	_ =	swait.ge @!p2 [sflag:s4], $0x2000  }
0xa2: {  	s17 =	simm.s32 @!p1 $0x400;
	s18 =	simm.s32 @!p1 $0x800;
	[sflag:s4] =	ssyncset.done @!p2 $0x0  }
0xa3: {  	[sflag:s4] =	ssyncadd.s32 @!p2 $0xFFFFE000;
	s4 =	simm.s32 @!p6 $0x1;
	p2 =	sgt.u32 @!p6 s1, $0x9C0  }
0xa4: {  	[tilespmem:s2], [sflag:$0x3] =	stream.strided.gather @!p1 [hbm4b:s0+s17], $0x2000, s18, s17, $0x38;
	[tilespmem:$0x1E880] =	vst v63  }
0xa5: {  	s1 =	simm.s32 @!p6 $0x5000;
	s0 =	simm.s32 @!p6 $0x40;
	_ =	swait.ge @!p6 [sflag:s4], $0x2000  }
.Ltmp1:
0xa6: {  	s2 =	sadd.s32 @!p6 $0x100, s28;
	[sflag:s4] =	ssyncset.done @!p6 $0x0;
	(pc) =	sbr.rel @p5 .LBB2_4-.Ltmp1, $4  }
0xa7: {  	s28 =	simm.s32 @!p6 $0x4;
	p2 =	por p2, p6;
	[sflag:s4] =	ssyncadd.s32 @!p6 $0xFFFFE000  }
0xa8: {  	[spmem:s15] =	stream.indirect.scatter.add.f32 @!p6 [tilespmem:s1], [sflag:$0x4], $0x80, s2, s0, $0xb8;
	[tilespmem:$0x1E880] =	vst v63  }
0xa9: {  	s29 =	simm.s32 @!p2 $0x800;
	s0 =	sadd.s32 @!p2 s3, s16;
	_ =	swait.ge @!p6 [sflag:s28], $0x2000  }
0xaa: {  	s31 =	sadd.s32 @!p2 $0x2800, s0;
	s0 =	simm.s32 @!p2 $0x400;
	[sflag:s28] =	ssyncset.done @!p6 $0x0  }
0xab: {  	[sflag:s28] =	ssyncadd.s32 @!p6 $0xFFFFE000;
	s1 =	simm.s32 @!p2 $0x5000;
	p1 =	sgt.u32 s13, $0x9C3  }
0xac: {  	[tilespmem:s1], [sflag:$0x1] =	stream.strided.gather @!p2 [hbm4b:s31+s0], $0x2000, s29, s0, $0x38;
	[tilespmem:$0x1E880] =	vst v63  }
0xad: {  	s0 =	simm.s32 @!p1 $0x2  }
0xae: {  	_ =	swait.ge @!p1 [sflag:s0], $0x2000  }
0xaf: {  	s1 =	simm.s32 @!p1 $0x7000;
	[sflag:s0] =	ssyncset.done @!p1 $0x0  }
0xb0: {  	p2 =	sgt.u32 @!p1 s13, $0x9C0;
	[sflag:s0] =	ssyncadd.s32 @!p1 $0xFFFFE000;
	s0 =	simm.s32 @!p1 $0x40  }
0xb1: {  	[spmem:s15] =	stream.indirect.scatter.add.f32 @!p1 [tilespmem:s1], [sflag:$0x4], $0x80, s14, s0, $0xb8;
	[tilespmem:$0x1E880] =	vst v63  }
0xb2: {  	p2 =	por p2, p1;
	s0 =	simm.s32 @!p1 $0x4  }
0xb3: {  	s2 =	simm.s32 @!p2 $0x800;
	_ =	swait.ge @!p1 [sflag:s0], $0x2000  }
0xb4: {  	s3 =	simm.s32 @!p2 $0x7000;
	s1 =	sadd.s32 @!p2 s11, s16;
	[sflag:s0] =	ssyncset.done @!p1 $0x0  }
0xb5: {  	[sflag:s0] =	ssyncadd.s32 @!p1 $0xFFFFE000;
	s0 =	sadd.s32 @!p2 $0x1800, s1;
	s1 =	simm.s32 @!p2 $0x400  }
0xb6: {  	[tilespmem:s3], [sflag:$0x2] =	stream.strided.gather @!p2 [hbm4b:s0+s1], $0x2000, s2, s1, $0x38;
	[tilespmem:$0x1E880] =	vst v63  }
0xb7: {  	s0 =	simm.s32 @!p3 $0x3  }
0xb8: {  	_ =	swait.ge @!p3 [sflag:s0], $0x2000  }
0xb9: {  	s1 =	simm.s32 @!p3 $0x4E80;
	[sflag:s0] =	ssyncset.done @!p3 $0x0  }
0xba: {  	s2 =	simm.s32 @!p3 $0x9000;
	[sflag:s0] =	ssyncadd.s32 @!p3 $0xFFFFE000;
	s0 =	simm.s32 @!p3 $0x40  }
0xbb: {  	[spmem:s15] =	stream.indirect.scatter.add.f32 @!p3 [tilespmem:s2], [sflag:$0x4], $0x80, s1, s0, $0xb8;
	[tilespmem:$0x1E880] =	vst v63  }
0xbc: {  	s1 =	simm.s32 @!p3 $0x4  }
0xbd: {  	_ =	swait.ge @!p3 [sflag:s1], $0x2000  }
0xbe: {  	[sflag:s1] =	ssyncset.done @!p3 $0x0  }
0xbf: {  	s2 =	simm.s32 @!p3 $0x1;
	[sflag:s1] =	ssyncadd.s32 @!p3 $0xFFFFE000  }
0xc0: {  	_ =	swait.ge @!p3 [sflag:s2], $0x2000  }
0xc1: {  	[sflag:s2] =	ssyncset.done @!p3 $0x0  }
0xc2: {  	s3 =	simm.s32 @!p3 $0x5000;
	[sflag:s2] =	ssyncadd.s32 @!p3 $0xFFFFE000;
	s2 =	simm.s32 @!p3 $0x4F00  }
0xc3: {  	[spmem:s15] =	stream.indirect.scatter.add.f32 @!p3 [tilespmem:s3], [sflag:$0x4], $0x80, s2, s0, $0xb8;
	[tilespmem:$0x1E880] =	vst v63  }
0xc4: {  	_ =	swait.ge @!p3 [sflag:s1], $0x2000  }
0xc5: {  	[sflag:s1] =	ssyncset.done @!p3 $0x0  }
0xc6: {  	s2 =	simm.s32 @!p3 $0x2;
	[sflag:s1] =	ssyncadd.s32 @!p3 $0xFFFFE000  }
0xc7: {  	_ =	swait.ge @!p3 [sflag:s2], $0x2000  }
0xc8: {  	[sflag:s2] =	ssyncset.done @!p3 $0x0  }
0xc9: {  	s3 =	simm.s32 @!p3 $0x7000;
	[sflag:s2] =	ssyncadd.s32 @!p3 $0xFFFFE000;
	s2 =	simm.s32 @!p3 $0x4F80  }
0xca: {  	[spmem:s15] =	stream.indirect.scatter.add.f32 @!p3 [tilespmem:s3], [sflag:$0x4], $0x80, s2, s0, $0xb8;
	[tilespmem:$0x1E880] =	vst v63  }
0xcb: {  	_ =	swait.ge @!p3 [sflag:s1], $0x2000  }
0xcc: {  	[sflag:s1] =	ssyncset.done @!p3 $0x0  }
0xcd: {  	s11 =	stileid.u32;
	[sflag:s1] =	ssyncadd.s32 @!p3 $0xFFFFE000  }
0xce: {  	s0 =	sshll.u32 s11, $0x6;
	[bflag:$0x0] =	sbarrier.arrive $0xFFFF  }
0xcf: {  	s13 =	sshrl.u32 s19, $0x3;
	s0 =	sor.u32 $0x1C04, s0;
	s17 =	rddreg [dreg:$0x7]  }
0xd0: {  	[hbm:s17@s8], [sflag:s0] =	dma.strided [spmem:s13@s9], $0x400, s7, $0x10   }
0xd1: {  	_ =	swait.ge [sflag:s5], $0x400  }
0xd2: {  	s18 =	sshrl.u32 s20, $0x3;
	[sflag:s5] =	ssyncset.done $0x0  }
0xd3: {  	s14 =	smov.u32 s19;
	s19 =	rddreg [dreg:$0x8];
	[sflag:s5] =	ssyncadd.s32 $0xFFFFFC00  }
0xd4: {  	[hbm:s19@s8], [sflag:s0] =	dma.strided [spmem:s18@s9], $0x400, s7, $0x10   }
0xd5: {  	_ =	swait.ge [sflag:s5], $0x400  }
0xd6: {  	s17 =	smov.u32 s20;
	s20 =	sshrl.u32 s21, $0x3;
	[sflag:s5] =	ssyncset.done $0x0  }
0xd7: {  	s18 =	smov.u32 s21;
	s21 =	rddreg [dreg:$0x9];
	[sflag:s5] =	ssyncadd.s32 $0xFFFFFC00  }
0xd8: {  	[hbm:s21@s8], [sflag:s0] =	dma.strided [spmem:s20@s9], $0x400, s7, $0x10   }
0xd9: {  	_ =	swait.ge [sflag:s5], $0x400  }
0xda: {  	s29 =	smov.u32 s22;
	[sflag:s5] =	ssyncset.done $0x0  }
0xdb: {  	s22 =	sshrl.u32 s22, $0x3;
	s28 =	rddreg [dreg:$0xa];
	[sflag:s5] =	ssyncadd.s32 $0xFFFFFC00  }
0xdc: {  	[hbm:s28@s8], [sflag:s0] =	dma.strided [spmem:s22@s9], $0x400, s7, $0x10   }
0xdd: {  	_ =	swait.ge [sflag:s5], $0x400  }
0xde: {  	[sflag:s5] =	ssyncset.done $0x0  }
0xdf: {  	s2 =	sshrl.u32 s23, $0x3;
	s3 =	rddreg [dreg:$0xb];
	[sflag:s5] =	ssyncadd.s32 $0xFFFFFC00  }
0xe0: {  	[hbm:s3@s8], [sflag:s0] =	dma.strided [spmem:s2@s9], $0x400, s7, $0x10   }
0xe1: {  	_ =	swait.ge [sflag:s5], $0x400  }
0xe2: {  	[sflag:s5] =	ssyncset.done $0x0;
	s4 =	rddreg [dreg:$0x11]  }
0xe3: {  	s11 =	rddreg [dreg:$0xc];
	[sflag:s5] =	ssyncadd.s32 $0xFFFFFC00;
	s1 =	sshrl.u32 s4, $0x3  }
0xe4: {  	[hbm:s11@s8], [sflag:s0] =	dma.strided [spmem:s1@s9], $0x400, s7, $0x10   }
0xe5: {  	_ =	swait.ge [sflag:s5], $0x400  }
0xe6: {  	[sflag:s5] =	ssyncset.done $0x0;
	s13 =	rddreg [dreg:$0x12]  }
0xe7: {  	s19 =	rddreg [dreg:$0xd];
	[sflag:s5] =	ssyncadd.s32 $0xFFFFFC00;
	s1 =	sshrl.u32 s13, $0x3  }
0xe8: {  	[hbm:s19@s8], [sflag:s0] =	dma.strided [spmem:s1@s9], $0x400, s7, $0x10   }
0xe9: {  	_ =	swait.ge [sflag:s5], $0x400  }
0xea: {  	[sflag:s5] =	ssyncset.done $0x0  }
0xeb: {  	s20 =	sshrl.u32 s24, $0x3;
	s21 =	rddreg [dreg:$0xe];
	[sflag:s5] =	ssyncadd.s32 $0xFFFFFC00  }
0xec: {  	[hbm:s21@s8], [sflag:s0] =	dma.strided [spmem:s20@s9], $0x400, s7, $0x10   }
0xed: {  	_ =	swait.ge [sflag:s5], $0x400  }
0xee: {  	s31 =	smov.u32 s23;
	[sflag:s5] =	ssyncset.done $0x0  }
0xef: {  	s22 =	sshrl.u32 s25, $0x3;
	s23 =	rddreg [dreg:$0xf];
	[sflag:s5] =	ssyncadd.s32 $0xFFFFFC00  }
0xf0: {  	[hbm:s23@s8], [sflag:s0] =	dma.strided [spmem:s22@s9], $0x400, s7, $0x10   }
0xf1: {  	s2 =	simm.s32 @!p0 $0x8;
	_ =	swait.ge [sflag:s5], $0x400  }
0xf2: {  	s3 =	simm.s32 @!p0 $0x100;
	s4 =	simm.s32 @!p0 $0x80;
	[sflag:s5] =	ssyncset.done $0x0  }
0xf3: {  	s1 =	sshrl.u32 @!p0 s26, $0x3;
	s11 =	rddreg [dreg:$0x10];
	[sflag:s5] =	ssyncadd.s32 $0xFFFFFC00  }
0xf4: {  	[hbm:s11@s3], [sflag:s0] =	dma.strided @!p0 [spmem:s1@s4], $0x400, s2, $0x10   }
0xf5: {  	s1 =	simm.s32 @!p0 $0x4  }
0xf6: {  	s2 =	simm.s32 @p4 $0x8;
	_ =	swait.ge @!p0 [sflag:s1], $0x400  }
0xf7: {  	s3 =	simm.s32 @p4 $0x100;
	s4 =	simm.s32 @p4 $0x80;
	[sflag:s1] =	ssyncset.done @!p0 $0x0  }
0xf8: {  	s11 =	rddreg [dreg:$0x13];
	[sflag:s1] =	ssyncadd.s32 @!p0 $0xFFFFFC00;
	s1 =	sshrl.u32 @p4 s12, $0x3  }
0xf9: {  	[hbm:s11@s3], [sflag:s0] =	dma.strided @p4 [spmem:s1@s4], $0x100, s2, $0x10   }
0xfa: {  	s0 =	simm.s32 @p4 $0x4  }
0xfb: {  	_ =	swait.ge @p4 [sflag:s0], $0x100  }
0xfc: {  	s10 =	sadd.s32 $0x1, s10;
	s28 =	rddreg [dreg:$0x14]  }
0xfd: {  	p1 =	sne.s32 s10, s28  }
.Ltmp2:
0xfe: {  	_ = 	snop;
	(pc) =	sbr.rel @p1 .LBB2_1-.Ltmp2, $3  }
0xff: {  	_ =	sdelay $0x1  }
0x100: {  	[sflag:s0] =	ssyncset.done @p4 $0x0  }
0x101: {  	s2 =	simm.s32 $0x400;
	s4 =	simm.s32 $0x800;
	[sflag:s0] =	ssyncadd.s32 @p4 $0xFFFFFF00  }
0x102: {  	_ =	sfence.sel $0x180000  }
0x103: {  	[bflag:$0x0] =	sbarrier.arrive $0xFFFF  }
0x104: {  	_ =	strace $0x90000047  }
0x105: {  	s0 =	stileid.u32;
	[bflag:$0x2] =	sbarrier.arrive $0xFFFF  }
0x106: {  	p0 =	sne.s32 s0, $0x0;
	s0 =	rddreg [dreg:$0x4]  }
0x107: {  	s0 =	sadd.s32 @!p0 $0x100000, s0  }
0x108: {  	[sflag:s0] =	ssyncadd.tile.s32 @!p0 $0x1;
	_ =	shalt  }
.Lfunc_end2:
_tile_overlayer_lowered:
.L_overlay_start_2:
0x109: {  	(tag) =	ssettag $0x2  }
0x10a: {  	s0 =	rddreg [dreg:$0x0];
	s2 =	stileid.u32  }
0x10b: {  	s1 =	rddreg [dreg:$0x1];
	p0 =	sne.s32 s2, $0x0  }
0x10c: {  	s3 =	rddreg [dreg:$0x2];
	[bflag:$0x3] =	sbarrier.arrive $0xFFFF;
	s2 =	simm.s32 @!p0 $0x1C04  }
0x10d: {  	[timem:s3], [sflag:s2] =	dma.local @!p0 [hbm:s0], s1  }
0x10e: {  	s0 =	simm.s32 @!p0 $0x4  }
0x10f: {  	_ =	swait.ge @!p0 [sflag:s0], s1  }
0x110: {  	s1 =	ssub.s32 @!p0 $0x0, s1;
	[sflag:s0] =	ssyncset.done @!p0 $0x0  }
0x111: {  	[sflag:s0] =	ssyncadd.s32 @!p0 s1  }
0x112: {  	[bflag:$0x3] =	sbarrier.arrive $0xFFFF  }
0x113: {  	_ =	shalt  }

</sc_bundles>
